<compile_context>
chip_gen: v7x
topology: tpu7x:2x2x1
jax: 0.10.2.dev20260603
libtpu: 0.0.44.dev20260713+nightly
codegen_flags: <defaults>
</compile_context>

<pallas_src>
import functools

import jax
import jax.numpy as jnp
from jax import lax
from jax.experimental import pallas as pl
from jax.experimental.pallas import tpu as pltpu
from jax.experimental.pallas import tpu_sc as plsc

_INTER = 512
_N = 128
_E = 8
_K = 2
_LANES = 16


def _route_body(idx_hbm, wts_hbm, w_hbm, idx_v, wts_v, w_v):
    cid = lax.axis_index("c")
    sid = lax.axis_index("s")

    @pl.when((cid == 0) & (sid == 0))
    def _():
        pltpu.sync_copy(idx_hbm, idx_v)
        pltpu.sync_copy(wts_hbm, wts_v)
        for i in range(_N * _E // _LANES):
            w_v[pl.ds(i * _LANES, _LANES)] = jnp.zeros((_LANES,), jnp.float32)
        lane = lax.iota(jnp.int32, _LANES)
        even = (lane & 1) == 0
        for j in range(_N * _K // _LANES):
            s0 = j * _LANES
            idx16 = idx_v[pl.ds(s0, _LANES)]
            w16 = wts_v[pl.ds(s0, _LANES)]
            tok = lax.shift_right_logical(s0 + lane, 1)
            flat = tok * _E + idx16
            plsc.addupdate_scatter(w_v, [flat], w16, mask=even)
            plsc.addupdate_scatter(w_v, [flat], w16, mask=~even)
        pltpu.sync_copy(w_v, w_hbm)


_route = functools.partial(
    pl.kernel,
    _route_body,
    out_type=jax.ShapeDtypeStruct((_N * _E,), jnp.float32),
    mesh=plsc.VectorSubcoreMesh(core_axis_name="c", subcore_axis_name="s"),
    compiler_params=pltpu.CompilerParams(needs_layout_passes=False),
    scratch_types=[
        pltpu.VMEM((_N * _K,), jnp.int32),
        pltpu.VMEM((_N * _K,), jnp.float32),
        pltpu.VMEM((_N * _E,), jnp.float32),
    ],
)()


def _moe_body(x_ref, gu_ref, dn_ref, w_ref, out_ref):
    e = pl.program_id(0)
    x = x_ref[...]
    proj = jax.lax.dot_general(
        x, gu_ref[0], (((1,), (1,)), ((), ())),
        preferred_element_type=jnp.float32)
    gate = proj[:, :_INTER]
    up = proj[:, _INTER:]
    h = gate * jax.nn.sigmoid(gate) * up
    out_e = jax.lax.dot_general(
        h, dn_ref[0], (((1,), (1,)), ((), ())),
        preferred_element_type=jnp.float32)
    lane = lax.broadcasted_iota(jnp.int32, (_N, _E), 1)
    w = jnp.sum(w_ref[...] * (lane == e).astype(jnp.float32),
                axis=1, keepdims=True)
    contrib = out_e * w

    @pl.when(e == 0)
    def _():
        out_ref[...] = contrib

    @pl.when(e != 0)
    def _():
        out_ref[...] += contrib


@jax.jit
def kernel(hidden_states, top_k_index, top_k_weights, gate_up_proj, down_proj):
    n, h = hidden_states.shape
    e = gate_up_proj.shape[0]
    i2 = gate_up_proj.shape[1]
    i = down_proj.shape[2]
    idx_flat = top_k_index.astype(jnp.int32).reshape(-1)
    wts_flat = top_k_weights.reshape(-1)
    w_dense = _route(idx_flat, wts_flat).reshape(n, e)
    out = pl.pallas_call(
        _moe_body,
        grid=(e,),
        in_specs=[
            pl.BlockSpec((n, h), lambda ei: (0, 0)),
            pl.BlockSpec((1, i2, h), lambda ei: (ei, 0, 0)),
            pl.BlockSpec((1, h, i), lambda ei: (ei, 0, 0)),
            pl.BlockSpec((n, e), lambda ei: (0, 0)),
        ],
        out_specs=pl.BlockSpec((n, h), lambda ei: (0, 0)),
        out_shape=jax.ShapeDtypeStruct((n, h), jnp.float32),
    )(hidden_states, gate_up_proj, down_proj, w_dense)
    return out.astype(hidden_states.dtype)

# --- scband reference (transcript-rebuilt; emitter-appended) ---
"""Pipeline reference for scband-experts-63007170232360 (READ-ONLY COPY).

The authoritative reference and input builder live on the scoring server;
editing this copy changes nothing except your own understanding.
"""

import jax, jax.numpy as jnp
import numpy as np

NUM_EXPERTS = 8
HIDDEN = 1024
INTERMEDIATE = 512
N_TOKENS = 128
TOP_K = 2


def setup_inputs(seed: int = 0) -> dict:
    key = jax.random.key(seed)
    k1, k2, k3, k4, k5 = jax.random.split(key, 5)
    hidden_states = jax.random.normal(k1, (N_TOKENS, HIDDEN), dtype=jnp.float32)
    top_k_index = jax.random.randint(k2, (N_TOKENS, TOP_K), 0, NUM_EXPERTS)
    top_k_weights = jax.random.uniform(k3, (N_TOKENS, TOP_K), dtype=jnp.float32)
    top_k_weights = top_k_weights / jnp.sum(top_k_weights, axis=-1, keepdims=True)
    gate_up_proj = jax.random.normal(k4, (NUM_EXPERTS, 2 * INTERMEDIATE, HIDDEN), dtype=jnp.float32) * 0.02
    down_proj = jax.random.normal(k5, (NUM_EXPERTS, HIDDEN, INTERMEDIATE), dtype=jnp.float32) * 0.02
    return {
        "hidden_states": hidden_states,
        "top_k_index": top_k_index,
        "top_k_weights": top_k_weights,
        "gate_up_proj": gate_up_proj,
        "down_proj": down_proj,
    }


def reference(hidden_states, top_k_index, top_k_weights, gate_up_proj, down_proj):
    num_tokens, hidden_dim = hidden_states.shape
    num_top_k = top_k_index.shape[-1]
    num_experts = gate_up_proj.shape[0]
    # Flatten (token, expert_slot) pairs: S = N * K
    token_idx = jnp.repeat(jnp.arange(num_tokens), num_top_k)
    expert_ids = top_k_index.reshape(-1)
    sample_weights = top_k_weights.reshape(-1)
    invalid_mask = expert_ids >= num_experts
    expert_ids = jnp.clip(expert_ids, 0, num_experts - 1)
    selected_hidden = hidden_states[token_idx]  # gather: [S, H]
    # Per-pair expert weight selection. gate_up_proj[expert_ids] @ x is expressed
    # via one-hot dispatch (math-identical to gather + bmm, avoids materializing
    # [S, 2I, H] gathered weights):
    oh = jax.nn.one_hot(expert_ids, num_experts, dtype=selected_hidden.dtype)  # [S, E]
    xe = selected_hidden[:, None, :] * oh[:, :, None]  # [S, E, H]
    proj = jnp.einsum('seh,eoh->so', xe, gate_up_proj)  # [S, 2I]
    gate, up = jnp.split(proj, 2, axis=-1)
    h = jax.nn.silu(gate) * up  # [S, I]
    he = h[:, None, :] * oh[:, :, None]  # [S, E, I]
    out_pairs = jnp.einsum('sei,ehi->sh', he, down_proj)  # [S, H]
    weighted = out_pairs * sample_weights[:, None]
    weighted = jnp.where(invalid_mask[:, None], jnp.zeros_like(weighted), weighted)
    out = weighted.reshape(num_tokens, num_top_k, hidden_dim).sum(axis=1)
    return out.astype(hidden_states.dtype)

if __name__ == "__main__":
    import jax
    _d = setup_inputs()
    print(jax.jit(kernel)(*tuple(_d.values())))

</pallas_src>

<mosaic_0001>
#map = affine_map<(d0, d1) -> (0)>
module attributes {stable_mosaic.version = 14 : i64} {
  func.func @_route_body(%arg0: i32, %arg1: i32, %arg2: memref<256xi32, #tpu.memory_space<hbm>>, %arg3: memref<256xf32, #tpu.memory_space<hbm>>, %arg4: memref<1024xf32, #tpu.memory_space<hbm>>, %arg5: memref<256xi32, #tpu.memory_space<vmem>>, %arg6: memref<256xf32, #tpu.memory_space<vmem>>, %arg7: memref<1024xf32, #tpu.memory_space<vmem>>) attributes {dimension_semantics = [#tpu.dimension_semantics<core_parallel>, #tpu.dimension_semantics<subcore_parallel>], iteration_bounds = array<i64: 2, 16>, scalar_prefetch = 0 : i64, scratch_operands = 3 : i64, tpu.core_type = #tpu.core_type<sc_vector_subcore>, window_params = [{transform_indices = #map}, {transform_indices = #map}, {transform_indices = #map}]} {
    %eq3A = arith.constant 0 : i32
    %eq3A_0 = arith.cmpi eq, %arg0, %eq3A : i32
    %eq3A_1 = arith.constant 0 : i32
    %eq3A_2 = arith.cmpi eq, %arg1, %eq3A_1 : i32
    %and3A = arith.andi %eq3A_0, %eq3A_2 : i1
    %convert_element_type3A = arith.extui %and3A : i1 to i32
    %cond3A = arith.constant 0 : i32
    %cond3A_3 = arith.cmpi ne, %convert_element_type3A, %cond3A : i32
    scf.if %cond3A_3 {
      "tpu.region"() ({
        %run_scoped3A = tpu.sem_alloc : memref<!tpu.dma_semaphore, #tpu.memory_space<semaphore_mem>>
        tpu.enqueue_dma source(%arg2 : memref<256xi32, #tpu.memory_space<hbm>>) target(%arg5 : memref<256xi32, #tpu.memory_space<vmem>>) target_semaphore(%run_scoped3A : memref<!tpu.dma_semaphore, #tpu.memory_space<semaphore_mem>>)
        tpu.wait_dma2 semaphore(%run_scoped3A : memref<!tpu.dma_semaphore, #tpu.memory_space<semaphore_mem>>) src(%arg2 : memref<256xi32, #tpu.memory_space<hbm>>) dst(%arg5 : memref<256xi32, #tpu.memory_space<vmem>>)
        tpu.yield
      }) : () -> ()
      "tpu.region"() ({
        %run_scoped3A = tpu.sem_alloc : memref<!tpu.dma_semaphore, #tpu.memory_space<semaphore_mem>>
        tpu.enqueue_dma source(%arg3 : memref<256xf32, #tpu.memory_space<hbm>>) target(%arg6 : memref<256xf32, #tpu.memory_space<vmem>>) target_semaphore(%run_scoped3A : memref<!tpu.dma_semaphore, #tpu.memory_space<semaphore_mem>>)
        tpu.wait_dma2 semaphore(%run_scoped3A : memref<!tpu.dma_semaphore, #tpu.memory_space<semaphore_mem>>) src(%arg3 : memref<256xf32, #tpu.memory_space<hbm>>) dst(%arg6 : memref<256xf32, #tpu.memory_space<vmem>>)
        tpu.yield
      }) : () -> ()
      %broadcast_in_dim3A = arith.constant 0.000000e+00 : f32
      %broadcast_in_dim3A_4 = vector.broadcast %broadcast_in_dim3A : f32 to vector<16xf32>
      %swap3A = arith.constant 0 : index
      %swap3A_5 = tpu.vector_load %arg7[%swap3A] {strides = array<i32>} : memref<1024xf32, #tpu.memory_space<vmem>>, vector<16xf32>,
      tpu.vector_store %arg7[%swap3A], %broadcast_in_dim3A_4 {strides = array<i32>} : memref<1024xf32, #tpu.memory_space<vmem>>, vector<16xf32>,
      %broadcast_in_dim3A_6 = arith.constant 0.000000e+00 : f32
      %broadcast_in_dim3A_7 = vector.broadcast %broadcast_in_dim3A_6 : f32 to vector<16xf32>
      %swap3A_8 = arith.constant 16 : index
      %swap3A_9 = tpu.vector_load %arg7[%swap3A_8] {strides = array<i32>} : memref<1024xf32, #tpu.memory_space<vmem>>, vector<16xf32>,
      tpu.vector_store %arg7[%swap3A_8], %broadcast_in_dim3A_7 {strides = array<i32>} : memref<1024xf32, #tpu.memory_space<vmem>>, vector<16xf32>,
      %broadcast_in_dim3A_10 = arith.constant 0.000000e+00 : f32
      %broadcast_in_dim3A_11 = vector.broadcast %broadcast_in_dim3A_10 : f32 to vector<16xf32>
      %swap3A_12 = arith.constant 32 : index
      %swap3A_13 = tpu.vector_load %arg7[%swap3A_12] {strides = array<i32>} : memref<1024xf32, #tpu.memory_space<vmem>>, vector<16xf32>,
      tpu.vector_store %arg7[%swap3A_12], %broadcast_in_dim3A_11 {strides = array<i32>} : memref<1024xf32, #tpu.memory_space<vmem>>, vector<16xf32>,
      %broadcast_in_dim3A_14 = arith.constant 0.000000e+00 : f32
      %broadcast_in_dim3A_15 = vector.broadcast %broadcast_in_dim3A_14 : f32 to vector<16xf32>
      %swap3A_16 = arith.constant 48 : index
      %swap3A_17 = tpu.vector_load %arg7[%swap3A_16] {strides = array<i32>} : memref<1024xf32, #tpu.memory_space<vmem>>, vector<16xf32>,
      tpu.vector_store %arg7[%swap3A_16], %broadcast_in_dim3A_15 {strides = array<i32>} : memref<1024xf32, #tpu.memory_space<vmem>>, vector<16xf32>,
      %broadcast_in_dim3A_18 = arith.constant 0.000000e+00 : f32
      %broadcast_in_dim3A_19 = vector.broadcast %broadcast_in_dim3A_18 : f32 to vector<16xf32>
      %swap3A_20 = arith.constant 64 : index
      %swap3A_21 = tpu.vector_load %arg7[%swap3A_20] {strides = array<i32>} : memref<1024xf32, #tpu.memory_space<vmem>>, vector<16xf32>,
      tpu.vector_store %arg7[%swap3A_20], %broadcast_in_dim3A_19 {strides = array<i32>} : memref<1024xf32, #tpu.memory_space<vmem>>, vector<16xf32>,
      %broadcast_in_dim3A_22 = arith.constant 0.000000e+00 : f32
      %broadcast_in_dim3A_23 = vector.broadcast %broadcast_in_dim3A_22 : f32 to vector<16xf32>
      %swap3A_24 = arith.constant 80 : index
      %swap3A_25 = tpu.vector_load %arg7[%swap3A_24] {strides = array<i32>} : memref<1024xf32, #tpu.memory_space<vmem>>, vector<16xf32>,
      tpu.vector_store %arg7[%swap3A_24], %broadcast_in_dim3A_23 {strides = array<i32>} : memref<1024xf32, #tpu.memory_space<vmem>>, vector<16xf32>,
      %broadcast_in_dim3A_26 = arith.constant 0.000000e+00 : f32
      %broadcast_in_dim3A_27 = vector.broadcast %broadcast_in_dim3A_26 : f32 to vector<16xf32>
      %swap3A_28 = arith.constant 96 : index
      %swap3A_29 = tpu.vector_load %arg7[%swap3A_28] {strides = array<i32>} : memref<1024xf32, #tpu.memory_space<vmem>>, vector<16xf32>,
      tpu.vector_store %arg7[%swap3A_28], %broadcast_in_dim3A_27 {strides = array<i32>} : memref<1024xf32, #tpu.memory_space<vmem>>, vector<16xf32>,
      %broadcast_in_dim3A_30 = arith.constant 0.000000e+00 : f32
      %broadcast_in_dim3A_31 = vector.broadcast %broadcast_in_dim3A_30 : f32 to vector<16xf32>
      %swap3A_32 = arith.constant 112 : index
      %swap3A_33 = tpu.vector_load %arg7[%swap3A_32] {strides = array<i32>} : memref<1024xf32, #tpu.memory_space<vmem>>, vector<16xf32>,
      tpu.vector_store %arg7[%swap3A_32], %broadcast_in_dim3A_31 {strides = array<i32>} : memref<1024xf32, #tpu.memory_space<vmem>>, vector<16xf32>,
      %broadcast_in_dim3A_34 = arith.constant 0.000000e+00 : f32
      %broadcast_in_dim3A_35 = vector.broadcast %broadcast_in_dim3A_34 : f32 to vector<16xf32>
      %swap3A_36 = arith.constant 128 : index
      %swap3A_37 = tpu.vector_load %arg7[%swap3A_36] {strides = array<i32>} : memref<1024xf32, #tpu.memory_space<vmem>>, vector<16xf32>,
      tpu.vector_store %arg7[%swap3A_36], %broadcast_in_dim3A_35 {strides = array<i32>} : memref<1024xf32, #tpu.memory_space<vmem>>, vector<16xf32>,
      %broadcast_in_dim3A_38 = arith.constant 0.000000e+00 : f32
      %broadcast_in_dim3A_39 = vector.broadcast %broadcast_in_dim3A_38 : f32 to vector<16xf32>
      %swap3A_40 = arith.constant 144 : index
      %swap3A_41 = tpu.vector_load %arg7[%swap3A_40] {strides = array<i32>} : memref<1024xf32, #tpu.memory_space<vmem>>, vector<16xf32>,
      tpu.vector_store %arg7[%swap3A_40], %broadcast_in_dim3A_39 {strides = array<i32>} : memref<1024xf32, #tpu.memory_space<vmem>>, vector<16xf32>,
      %broadcast_in_dim3A_42 = arith.constant 0.000000e+00 : f32
      %broadcast_in_dim3A_43 = vector.broadcast %broadcast_in_dim3A_42 : f32 to vector<16xf32>
      %swap3A_44 = arith.constant 160 : index
      %swap3A_45 = tpu.vector_load %arg7[%swap3A_44] {strides = array<i32>} : memref<1024xf32, #tpu.memory_space<vmem>>, vector<16xf32>,
      tpu.vector_store %arg7[%swap3A_44], %broadcast_in_dim3A_43 {strides = array<i32>} : memref<1024xf32, #tpu.memory_space<vmem>>, vector<16xf32>,
      %broadcast_in_dim3A_46 = arith.constant 0.000000e+00 : f32
      %broadcast_in_dim3A_47 = vector.broadcast %broadcast_in_dim3A_46 : f32 to vector<16xf32>
      %swap3A_48 = arith.constant 176 : index
      %swap3A_49 = tpu.vector_load %arg7[%swap3A_48] {strides = array<i32>} : memref<1024xf32, #tpu.memory_space<vmem>>, vector<16xf32>,
      tpu.vector_store %arg7[%swap3A_48], %broadcast_in_dim3A_47 {strides = array<i32>} : memref<1024xf32, #tpu.memory_space<vmem>>, vector<16xf32>,
      %broadcast_in_dim3A_50 = arith.constant 0.000000e+00 : f32
      %broadcast_in_dim3A_51 = vector.broadcast %broadcast_in_dim3A_50 : f32 to vector<16xf32>
      %swap3A_52 = arith.constant 192 : index
      %swap3A_53 = tpu.vector_load %arg7[%swap3A_52] {strides = array<i32>} : memref<1024xf32, #tpu.memory_space<vmem>>, vector<16xf32>,
      tpu.vector_store %arg7[%swap3A_52], %broadcast_in_dim3A_51 {strides = array<i32>} : memref<1024xf32, #tpu.memory_space<vmem>>, vector<16xf32>,
      %broadcast_in_dim3A_54 = arith.constant 0.000000e+00 : f32
      %broadcast_in_dim3A_55 = vector.broadcast %broadcast_in_dim3A_54 : f32 to vector<16xf32>
      %swap3A_56 = arith.constant 208 : index
      %swap3A_57 = tpu.vector_load %arg7[%swap3A_56] {strides = array<i32>} : memref<1024xf32, #tpu.memory_space<vmem>>, vector<16xf32>,
      tpu.vector_store %arg7[%swap3A_56], %broadcast_in_dim3A_55 {strides = array<i32>} : memref<1024xf32, #tpu.memory_space<vmem>>, vector<16xf32>,
      %broadcast_in_dim3A_58 = arith.constant 0.000000e+00 : f32
      %broadcast_in_dim3A_59 = vector.broadcast %broadcast_in_dim3A_58 : f32 to vector<16xf32>
      %swap3A_60 = arith.constant 224 : index
      %swap3A_61 = tpu.vector_load %arg7[%swap3A_60] {strides = array<i32>} : memref<1024xf32, #tpu.memory_space<vmem>>, vector<16xf32>,
      tpu.vector_store %arg7[%swap3A_60], %broadcast_in_dim3A_59 {strides = array<i32>} : memref<1024xf32, #tpu.memory_space<vmem>>, vector<16xf32>,
      %broadcast_in_dim3A_62 = arith.constant 0.000000e+00 : f32
      %broadcast_in_dim3A_63 = vector.broadcast %broadcast_in_dim3A_62 : f32 to vector<16xf32>
      %swap3A_64 = arith.constant 240 : index
      %swap3A_65 = tpu.vector_load %arg7[%swap3A_64] {strides = array<i32>} : memref<1024xf32, #tpu.memory_space<vmem>>, vector<16xf32>,
      tpu.vector_store %arg7[%swap3A_64], %broadcast_in_dim3A_63 {strides = array<i32>} : memref<1024xf32, #tpu.memory_space<vmem>>, vector<16xf32>,
      %broadcast_in_dim3A_66 = arith.constant 0.000000e+00 : f32
      %broadcast_in_dim3A_67 = vector.broadcast %broadcast_in_dim3A_66 : f32 to vector<16xf32>
      %swap3A_68 = arith.constant 256 : index
      %swap3A_69 = tpu.vector_load %arg7[%swap3A_68] {strides = array<i32>} : memref<1024xf32, #tpu.memory_space<vmem>>, vector<16xf32>,
      tpu.vector_store %arg7[%swap3A_68], %broadcast_in_dim3A_67 {strides = array<i32>} : memref<1024xf32, #tpu.memory_space<vmem>>, vector<16xf32>,
      %broadcast_in_dim3A_70 = arith.constant 0.000000e+00 : f32
      %broadcast_in_dim3A_71 = vector.broadcast %broadcast_in_dim3A_70 : f32 to vector<16xf32>
      %swap3A_72 = arith.constant 272 : index
      %swap3A_73 = tpu.vector_load %arg7[%swap3A_72] {strides = array<i32>} : memref<1024xf32, #tpu.memory_space<vmem>>, vector<16xf32>,
      tpu.vector_store %arg7[%swap3A_72], %broadcast_in_dim3A_71 {strides = array<i32>} : memref<1024xf32, #tpu.memory_space<vmem>>, vector<16xf32>,
      %broadcast_in_dim3A_74 = arith.constant 0.000000e+00 : f32
      %broadcast_in_dim3A_75 = vector.broadcast %broadcast_in_dim3A_74 : f32 to vector<16xf32>
      %swap3A_76 = arith.constant 288 : index
      %swap3A_77 = tpu.vector_load %arg7[%swap3A_76] {strides = array<i32>} : memref<1024xf32, #tpu.memory_space<vmem>>, vector<16xf32>,
      tpu.vector_store %arg7[%swap3A_76], %broadcast_in_dim3A_75 {strides = array<i32>} : memref<1024xf32, #tpu.memory_space<vmem>>, vector<16xf32>,
      %broadcast_in_dim3A_78 = arith.constant 0.000000e+00 : f32
      %broadcast_in_dim3A_79 = vector.broadcast %broadcast_in_dim3A_78 : f32 to vector<16xf32>
      %swap3A_80 = arith.constant 304 : index
      %swap3A_81 = tpu.vector_load %arg7[%swap3A_80] {strides = array<i32>} : memref<1024xf32, #tpu.memory_space<vmem>>, vector<16xf32>,
      tpu.vector_store %arg7[%swap3A_80], %broadcast_in_dim3A_79 {strides = array<i32>} : memref<1024xf32, #tpu.memory_space<vmem>>, vector<16xf32>,
      %broadcast_in_dim3A_82 = arith.constant 0.000000e+00 : f32
      %broadcast_in_dim3A_83 = vector.broadcast %broadcast_in_dim3A_82 : f32 to vector<16xf32>
      %swap3A_84 = arith.constant 320 : index
      %swap3A_85 = tpu.vector_load %arg7[%swap3A_84] {strides = array<i32>} : memref<1024xf32, #tpu.memory_space<vmem>>, vector<16xf32>,
      tpu.vector_store %arg7[%swap3A_84], %broadcast_in_dim3A_83 {strides = array<i32>} : memref<1024xf32, #tpu.memory_space<vmem>>, vector<16xf32>,
      %broadcast_in_dim3A_86 = arith.constant 0.000000e+00 : f32
      %broadcast_in_dim3A_87 = vector.broadcast %broadcast_in_dim3A_86 : f32 to vector<16xf32>
      %swap3A_88 = arith.constant 336 : index
      %swap3A_89 = tpu.vector_load %arg7[%swap3A_88] {strides = array<i32>} : memref<1024xf32, #tpu.memory_space<vmem>>, vector<16xf32>,
      tpu.vector_store %arg7[%swap3A_88], %broadcast_in_dim3A_87 {strides = array<i32>} : memref<1024xf32, #tpu.memory_space<vmem>>, vector<16xf32>,
      %broadcast_in_dim3A_90 = arith.constant 0.000000e+00 : f32
      %broadcast_in_dim3A_91 = vector.broadcast %broadcast_in_dim3A_90 : f32 to vector<16xf32>
      %swap3A_92 = arith.constant 352 : index
      %swap3A_93 = tpu.vector_load %arg7[%swap3A_92] {strides = array<i32>} : memref<1024xf32, #tpu.memory_space<vmem>>, vector<16xf32>,
      tpu.vector_store %arg7[%swap3A_92], %broadcast_in_dim3A_91 {strides = array<i32>} : memref<1024xf32, #tpu.memory_space<vmem>>, vector<16xf32>,
      %broadcast_in_dim3A_94 = arith.constant 0.000000e+00 : f32
      %broadcast_in_dim3A_95 = vector.broadcast %broadcast_in_dim3A_94 : f32 to vector<16xf32>
      %swap3A_96 = arith.constant 368 : index
      %swap3A_97 = tpu.vector_load %arg7[%swap3A_96] {strides = array<i32>} : memref<1024xf32, #tpu.memory_space<vmem>>, vector<16xf32>,
      tpu.vector_store %arg7[%swap3A_96], %broadcast_in_dim3A_95 {strides = array<i32>} : memref<1024xf32, #tpu.memory_space<vmem>>, vector<16xf32>,
      %broadcast_in_dim3A_98 = arith.constant 0.000000e+00 : f32
      %broadcast_in_dim3A_99 = vector.broadcast %broadcast_in_dim3A_98 : f32 to vector<16xf32>
      %swap3A_100 = arith.constant 384 : index
      %swap3A_101 = tpu.vector_load %arg7[%swap3A_100] {strides = array<i32>} : memref<1024xf32, #tpu.memory_space<vmem>>, vector<16xf32>,
      tpu.vector_store %arg7[%swap3A_100], %broadcast_in_dim3A_99 {strides = array<i32>} : memref<1024xf32, #tpu.memory_space<vmem>>, vector<16xf32>,
      %broadcast_in_dim3A_102 = arith.constant 0.000000e+00 : f32
      %broadcast_in_dim3A_103 = vector.broadcast %broadcast_in_dim3A_102 : f32 to vector<16xf32>
      %swap3A_104 = arith.constant 400 : index
      %swap3A_105 = tpu.vector_load %arg7[%swap3A_104] {strides = array<i32>} : memref<1024xf32, #tpu.memory_space<vmem>>, vector<16xf32>,
      tpu.vector_store %arg7[%swap3A_104], %broadcast_in_dim3A_103 {strides = array<i32>} : memref<1024xf32, #tpu.memory_space<vmem>>, vector<16xf32>,
      %broadcast_in_dim3A_106 = arith.constant 0.000000e+00 : f32
      %broadcast_in_dim3A_107 = vector.broadcast %broadcast_in_dim3A_106 : f32 to vector<16xf32>
      %swap3A_108 = arith.constant 416 : index
      %swap3A_109 = tpu.vector_load %arg7[%swap3A_108] {strides = array<i32>} : memref<1024xf32, #tpu.memory_space<vmem>>, vector<16xf32>,
      tpu.vector_store %arg7[%swap3A_108], %broadcast_in_dim3A_107 {strides = array<i32>} : memref<1024xf32, #tpu.memory_space<vmem>>, vector<16xf32>,
      %broadcast_in_dim3A_110 = arith.constant 0.000000e+00 : f32
      %broadcast_in_dim3A_111 = vector.broadcast %broadcast_in_dim3A_110 : f32 to vector<16xf32>
      %swap3A_112 = arith.constant 432 : index
      %swap3A_113 = tpu.vector_load %arg7[%swap3A_112] {strides = array<i32>} : memref<1024xf32, #tpu.memory_space<vmem>>, vector<16xf32>,
      tpu.vector_store %arg7[%swap3A_112], %broadcast_in_dim3A_111 {strides = array<i32>} : memref<1024xf32, #tpu.memory_space<vmem>>, vector<16xf32>,
      %broadcast_in_dim3A_114 = arith.constant 0.000000e+00 : f32
      %broadcast_in_dim3A_115 = vector.broadcast %broadcast_in_dim3A_114 : f32 to vector<16xf32>
      %swap3A_116 = arith.constant 448 : index
      %swap3A_117 = tpu.vector_load %arg7[%swap3A_116] {strides = array<i32>} : memref<1024xf32, #tpu.memory_space<vmem>>, vector<16xf32>,
      tpu.vector_store %arg7[%swap3A_116], %broadcast_in_dim3A_115 {strides = array<i32>} : memref<1024xf32, #tpu.memory_space<vmem>>, vector<16xf32>,
      %broadcast_in_dim3A_118 = arith.constant 0.000000e+00 : f32
      %broadcast_in_dim3A_119 = vector.broadcast %broadcast_in_dim3A_118 : f32 to vector<16xf32>
      %swap3A_120 = arith.constant 464 : index
      %swap3A_121 = tpu.vector_load %arg7[%swap3A_120] {strides = array<i32>} : memref<1024xf32, #tpu.memory_space<vmem>>, vector<16xf32>,
      tpu.vector_store %arg7[%swap3A_120], %broadcast_in_dim3A_119 {strides = array<i32>} : memref<1024xf32, #tpu.memory_space<vmem>>, vector<16xf32>,
      %broadcast_in_dim3A_122 = arith.constant 0.000000e+00 : f32
      %broadcast_in_dim3A_123 = vector.broadcast %broadcast_in_dim3A_122 : f32 to vector<16xf32>
      %swap3A_124 = arith.constant 480 : index
      %swap3A_125 = tpu.vector_load %arg7[%swap3A_124] {strides = array<i32>} : memref<1024xf32, #tpu.memory_space<vmem>>, vector<16xf32>,
      tpu.vector_store %arg7[%swap3A_124], %broadcast_in_dim3A_123 {strides = array<i32>} : memref<1024xf32, #tpu.memory_space<vmem>>, vector<16xf32>,
      %broadcast_in_dim3A_126 = arith.constant 0.000000e+00 : f32
      %broadcast_in_dim3A_127 = vector.broadcast %broadcast_in_dim3A_126 : f32 to vector<16xf32>
      %swap3A_128 = arith.constant 496 : index
      %swap3A_129 = tpu.vector_load %arg7[%swap3A_128] {strides = array<i32>} : memref<1024xf32, #tpu.memory_space<vmem>>, vector<16xf32>,
      tpu.vector_store %arg7[%swap3A_128], %broadcast_in_dim3A_127 {strides = array<i32>} : memref<1024xf32, #tpu.memory_space<vmem>>, vector<16xf32>,
      %broadcast_in_dim3A_130 = arith.constant 0.000000e+00 : f32
      %broadcast_in_dim3A_131 = vector.broadcast %broadcast_in_dim3A_130 : f32 to vector<16xf32>
      %swap3A_132 = arith.constant 512 : index
      %swap3A_133 = tpu.vector_load %arg7[%swap3A_132] {strides = array<i32>} : memref<1024xf32, #tpu.memory_space<vmem>>, vector<16xf32>,
      tpu.vector_store %arg7[%swap3A_132], %broadcast_in_dim3A_131 {strides = array<i32>} : memref<1024xf32, #tpu.memory_space<vmem>>, vector<16xf32>,
      %broadcast_in_dim3A_134 = arith.constant 0.000000e+00 : f32
      %broadcast_in_dim3A_135 = vector.broadcast %broadcast_in_dim3A_134 : f32 to vector<16xf32>
      %swap3A_136 = arith.constant 528 : index
      %swap3A_137 = tpu.vector_load %arg7[%swap3A_136] {strides = array<i32>} : memref<1024xf32, #tpu.memory_space<vmem>>, vector<16xf32>,
      tpu.vector_store %arg7[%swap3A_136], %broadcast_in_dim3A_135 {strides = array<i32>} : memref<1024xf32, #tpu.memory_space<vmem>>, vector<16xf32>,
      %broadcast_in_dim3A_138 = arith.constant 0.000000e+00 : f32
      %broadcast_in_dim3A_139 = vector.broadcast %broadcast_in_dim3A_138 : f32 to vector<16xf32>
      %swap3A_140 = arith.constant 544 : index
      %swap3A_141 = tpu.vector_load %arg7[%swap3A_140] {strides = array<i32>} : memref<1024xf32, #tpu.memory_space<vmem>>, vector<16xf32>,
      tpu.vector_store %arg7[%swap3A_140], %broadcast_in_dim3A_139 {strides = array<i32>} : memref<1024xf32, #tpu.memory_space<vmem>>, vector<16xf32>,
      %broadcast_in_dim3A_142 = arith.constant 0.000000e+00 : f32
      %broadcast_in_dim3A_143 = vector.broadcast %broadcast_in_dim3A_142 : f32 to vector<16xf32>
      %swap3A_144 = arith.constant 560 : index
      %swap3A_145 = tpu.vector_load %arg7[%swap3A_144] {strides = array<i32>} : memref<1024xf32, #tpu.memory_space<vmem>>, vector<16xf32>,
      tpu.vector_store %arg7[%swap3A_144], %broadcast_in_dim3A_143 {strides = array<i32>} : memref<1024xf32, #tpu.memory_space<vmem>>, vector<16xf32>,
      %broadcast_in_dim3A_146 = arith.constant 0.000000e+00 : f32
      %broadcast_in_dim3A_147 = vector.broadcast %broadcast_in_dim3A_146 : f32 to vector<16xf32>
      %swap3A_148 = arith.constant 576 : index
      %swap3A_149 = tpu.vector_load %arg7[%swap3A_148] {strides = array<i32>} : memref<1024xf32, #tpu.memory_space<vmem>>, vector<16xf32>,
      tpu.vector_store %arg7[%swap3A_148], %broadcast_in_dim3A_147 {strides = array<i32>} : memref<1024xf32, #tpu.memory_space<vmem>>, vector<16xf32>,
      %broadcast_in_dim3A_150 = arith.constant 0.000000e+00 : f32
      %broadcast_in_dim3A_151 = vector.broadcast %broadcast_in_dim3A_150 : f32 to vector<16xf32>
      %swap3A_152 = arith.constant 592 : index
      %swap3A_153 = tpu.vector_load %arg7[%swap3A_152] {strides = array<i32>} : memref<1024xf32, #tpu.memory_space<vmem>>, vector<16xf32>,
      tpu.vector_store %arg7[%swap3A_152], %broadcast_in_dim3A_151 {strides = array<i32>} : memref<1024xf32, #tpu.memory_space<vmem>>, vector<16xf32>,
      %broadcast_in_dim3A_154 = arith.constant 0.000000e+00 : f32
      %broadcast_in_dim3A_155 = vector.broadcast %broadcast_in_dim3A_154 : f32 to vector<16xf32>
      %swap3A_156 = arith.constant 608 : index
      %swap3A_157 = tpu.vector_load %arg7[%swap3A_156] {strides = array<i32>} : memref<1024xf32, #tpu.memory_space<vmem>>, vector<16xf32>,
      tpu.vector_store %arg7[%swap3A_156], %broadcast_in_dim3A_155 {strides = array<i32>} : memref<1024xf32, #tpu.memory_space<vmem>>, vector<16xf32>,
      %broadcast_in_dim3A_158 = arith.constant 0.000000e+00 : f32
      %broadcast_in_dim3A_159 = vector.broadcast %broadcast_in_dim3A_158 : f32 to vector<16xf32>
      %swap3A_160 = arith.constant 624 : index
      %swap3A_161 = tpu.vector_load %arg7[%swap3A_160] {strides = array<i32>} : memref<1024xf32, #tpu.memory_space<vmem>>, vector<16xf32>,
      tpu.vector_store %arg7[%swap3A_160], %broadcast_in_dim3A_159 {strides = array<i32>} : memref<1024xf32, #tpu.memory_space<vmem>>, vector<16xf32>,
      %broadcast_in_dim3A_162 = arith.constant 0.000000e+00 : f32
      %broadcast_in_dim3A_163 = vector.broadcast %broadcast_in_dim3A_162 : f32 to vector<16xf32>
      %swap3A_164 = arith.constant 640 : index
      %swap3A_165 = tpu.vector_load %arg7[%swap3A_164] {strides = array<i32>} : memref<1024xf32, #tpu.memory_space<vmem>>, vector<16xf32>,
      tpu.vector_store %arg7[%swap3A_164], %broadcast_in_dim3A_163 {strides = array<i32>} : memref<1024xf32, #tpu.memory_space<vmem>>, vector<16xf32>,
      %broadcast_in_dim3A_166 = arith.constant 0.000000e+00 : f32
      %broadcast_in_dim3A_167 = vector.broadcast %broadcast_in_dim3A_166 : f32 to vector<16xf32>
      %swap3A_168 = arith.constant 656 : index
      %swap3A_169 = tpu.vector_load %arg7[%swap3A_168] {strides = array<i32>} : memref<1024xf32, #tpu.memory_space<vmem>>, vector<16xf32>,
      tpu.vector_store %arg7[%swap3A_168], %broadcast_in_dim3A_167 {strides = array<i32>} : memref<1024xf32, #tpu.memory_space<vmem>>, vector<16xf32>,
      %broadcast_in_dim3A_170 = arith.constant 0.000000e+00 : f32
      %broadcast_in_dim3A_171 = vector.broadcast %broadcast_in_dim3A_170 : f32 to vector<16xf32>
      %swap3A_172 = arith.constant 672 : index
      %swap3A_173 = tpu.vector_load %arg7[%swap3A_172] {strides = array<i32>} : memref<1024xf32, #tpu.memory_space<vmem>>, vector<16xf32>,
      tpu.vector_store %arg7[%swap3A_172], %broadcast_in_dim3A_171 {strides = array<i32>} : memref<1024xf32, #tpu.memory_space<vmem>>, vector<16xf32>,
      %broadcast_in_dim3A_174 = arith.constant 0.000000e+00 : f32
      %broadcast_in_dim3A_175 = vector.broadcast %broadcast_in_dim3A_174 : f32 to vector<16xf32>
      %swap3A_176 = arith.constant 688 : index
      %swap3A_177 = tpu.vector_load %arg7[%swap3A_176] {strides = array<i32>} : memref<1024xf32, #tpu.memory_space<vmem>>, vector<16xf32>,
      tpu.vector_store %arg7[%swap3A_176], %broadcast_in_dim3A_175 {strides = array<i32>} : memref<1024xf32, #tpu.memory_space<vmem>>, vector<16xf32>,
      %broadcast_in_dim3A_178 = arith.constant 0.000000e+00 : f32
      %broadcast_in_dim3A_179 = vector.broadcast %broadcast_in_dim3A_178 : f32 to vector<16xf32>
      %swap3A_180 = arith.constant 704 : index
      %swap3A_181 = tpu.vector_load %arg7[%swap3A_180] {strides = array<i32>} : memref<1024xf32, #tpu.memory_space<vmem>>, vector<16xf32>,
      tpu.vector_store %arg7[%swap3A_180], %broadcast_in_dim3A_179 {strides = array<i32>} : memref<1024xf32, #tpu.memory_space<vmem>>, vector<16xf32>,
      %broadcast_in_dim3A_182 = arith.constant 0.000000e+00 : f32
      %broadcast_in_dim3A_183 = vector.broadcast %broadcast_in_dim3A_182 : f32 to vector<16xf32>
      %swap3A_184 = arith.constant 720 : index
      %swap3A_185 = tpu.vector_load %arg7[%swap3A_184] {strides = array<i32>} : memref<1024xf32, #tpu.memory_space<vmem>>, vector<16xf32>,
      tpu.vector_store %arg7[%swap3A_184], %broadcast_in_dim3A_183 {strides = array<i32>} : memref<1024xf32, #tpu.memory_space<vmem>>, vector<16xf32>,
      %broadcast_in_dim3A_186 = arith.constant 0.000000e+00 : f32
      %broadcast_in_dim3A_187 = vector.broadcast %broadcast_in_dim3A_186 : f32 to vector<16xf32>
      %swap3A_188 = arith.constant 736 : index
      %swap3A_189 = tpu.vector_load %arg7[%swap3A_188] {strides = array<i32>} : memref<1024xf32, #tpu.memory_space<vmem>>, vector<16xf32>,
      tpu.vector_store %arg7[%swap3A_188], %broadcast_in_dim3A_187 {strides = array<i32>} : memref<1024xf32, #tpu.memory_space<vmem>>, vector<16xf32>,
      %broadcast_in_dim3A_190 = arith.constant 0.000000e+00 : f32
      %broadcast_in_dim3A_191 = vector.broadcast %broadcast_in_dim3A_190 : f32 to vector<16xf32>
      %swap3A_192 = arith.constant 752 : index
      %swap3A_193 = tpu.vector_load %arg7[%swap3A_192] {strides = array<i32>} : memref<1024xf32, #tpu.memory_space<vmem>>, vector<16xf32>,
      tpu.vector_store %arg7[%swap3A_192], %broadcast_in_dim3A_191 {strides = array<i32>} : memref<1024xf32, #tpu.memory_space<vmem>>, vector<16xf32>,
      %broadcast_in_dim3A_194 = arith.constant 0.000000e+00 : f32
      %broadcast_in_dim3A_195 = vector.broadcast %broadcast_in_dim3A_194 : f32 to vector<16xf32>
      %swap3A_196 = arith.constant 768 : index
      %swap3A_197 = tpu.vector_load %arg7[%swap3A_196] {strides = array<i32>} : memref<1024xf32, #tpu.memory_space<vmem>>, vector<16xf32>,
      tpu.vector_store %arg7[%swap3A_196], %broadcast_in_dim3A_195 {strides = array<i32>} : memref<1024xf32, #tpu.memory_space<vmem>>, vector<16xf32>,
      %broadcast_in_dim3A_198 = arith.constant 0.000000e+00 : f32
      %broadcast_in_dim3A_199 = vector.broadcast %broadcast_in_dim3A_198 : f32 to vector<16xf32>
      %swap3A_200 = arith.constant 784 : index
      %swap3A_201 = tpu.vector_load %arg7[%swap3A_200] {strides = array<i32>} : memref<1024xf32, #tpu.memory_space<vmem>>, vector<16xf32>,
      tpu.vector_store %arg7[%swap3A_200], %broadcast_in_dim3A_199 {strides = array<i32>} : memref<1024xf32, #tpu.memory_space<vmem>>, vector<16xf32>,
      %broadcast_in_dim3A_202 = arith.constant 0.000000e+00 : f32
      %broadcast_in_dim3A_203 = vector.broadcast %broadcast_in_dim3A_202 : f32 to vector<16xf32>
      %swap3A_204 = arith.constant 800 : index
      %swap3A_205 = tpu.vector_load %arg7[%swap3A_204] {strides = array<i32>} : memref<1024xf32, #tpu.memory_space<vmem>>, vector<16xf32>,
      tpu.vector_store %arg7[%swap3A_204], %broadcast_in_dim3A_203 {strides = array<i32>} : memref<1024xf32, #tpu.memory_space<vmem>>, vector<16xf32>,
      %broadcast_in_dim3A_206 = arith.constant 0.000000e+00 : f32
      %broadcast_in_dim3A_207 = vector.broadcast %broadcast_in_dim3A_206 : f32 to vector<16xf32>
      %swap3A_208 = arith.constant 816 : index
      %swap3A_209 = tpu.vector_load %arg7[%swap3A_208] {strides = array<i32>} : memref<1024xf32, #tpu.memory_space<vmem>>, vector<16xf32>,
      tpu.vector_store %arg7[%swap3A_208], %broadcast_in_dim3A_207 {strides = array<i32>} : memref<1024xf32, #tpu.memory_space<vmem>>, vector<16xf32>,
      %broadcast_in_dim3A_210 = arith.constant 0.000000e+00 : f32
      %broadcast_in_dim3A_211 = vector.broadcast %broadcast_in_dim3A_210 : f32 to vector<16xf32>
      %swap3A_212 = arith.constant 832 : index
      %swap3A_213 = tpu.vector_load %arg7[%swap3A_212] {strides = array<i32>} : memref<1024xf32, #tpu.memory_space<vmem>>, vector<16xf32>,
      tpu.vector_store %arg7[%swap3A_212], %broadcast_in_dim3A_211 {strides = array<i32>} : memref<1024xf32, #tpu.memory_space<vmem>>, vector<16xf32>,
      %broadcast_in_dim3A_214 = arith.constant 0.000000e+00 : f32
      %broadcast_in_dim3A_215 = vector.broadcast %broadcast_in_dim3A_214 : f32 to vector<16xf32>
      %swap3A_216 = arith.constant 848 : index
      %swap3A_217 = tpu.vector_load %arg7[%swap3A_216] {strides = array<i32>} : memref<1024xf32, #tpu.memory_space<vmem>>, vector<16xf32>,
      tpu.vector_store %arg7[%swap3A_216], %broadcast_in_dim3A_215 {strides = array<i32>} : memref<1024xf32, #tpu.memory_space<vmem>>, vector<16xf32>,
      %broadcast_in_dim3A_218 = arith.constant 0.000000e+00 : f32
      %broadcast_in_dim3A_219 = vector.broadcast %broadcast_in_dim3A_218 : f32 to vector<16xf32>
      %swap3A_220 = arith.constant 864 : index
      %swap3A_221 = tpu.vector_load %arg7[%swap3A_220] {strides = array<i32>} : memref<1024xf32, #tpu.memory_space<vmem>>, vector<16xf32>,
      tpu.vector_store %arg7[%swap3A_220], %broadcast_in_dim3A_219 {strides = array<i32>} : memref<1024xf32, #tpu.memory_space<vmem>>, vector<16xf32>,
      %broadcast_in_dim3A_222 = arith.constant 0.000000e+00 : f32
      %broadcast_in_dim3A_223 = vector.broadcast %broadcast_in_dim3A_222 : f32 to vector<16xf32>
      %swap3A_224 = arith.constant 880 : index
      %swap3A_225 = tpu.vector_load %arg7[%swap3A_224] {strides = array<i32>} : memref<1024xf32, #tpu.memory_space<vmem>>, vector<16xf32>,
      tpu.vector_store %arg7[%swap3A_224], %broadcast_in_dim3A_223 {strides = array<i32>} : memref<1024xf32, #tpu.memory_space<vmem>>, vector<16xf32>,
      %broadcast_in_dim3A_226 = arith.constant 0.000000e+00 : f32
      %broadcast_in_dim3A_227 = vector.broadcast %broadcast_in_dim3A_226 : f32 to vector<16xf32>
      %swap3A_228 = arith.constant 896 : index
      %swap3A_229 = tpu.vector_load %arg7[%swap3A_228] {strides = array<i32>} : memref<1024xf32, #tpu.memory_space<vmem>>, vector<16xf32>,
      tpu.vector_store %arg7[%swap3A_228], %broadcast_in_dim3A_227 {strides = array<i32>} : memref<1024xf32, #tpu.memory_space<vmem>>, vector<16xf32>,
      %broadcast_in_dim3A_230 = arith.constant 0.000000e+00 : f32
      %broadcast_in_dim3A_231 = vector.broadcast %broadcast_in_dim3A_230 : f32 to vector<16xf32>
      %swap3A_232 = arith.constant 912 : index
      %swap3A_233 = tpu.vector_load %arg7[%swap3A_232] {strides = array<i32>} : memref<1024xf32, #tpu.memory_space<vmem>>, vector<16xf32>,
      tpu.vector_store %arg7[%swap3A_232], %broadcast_in_dim3A_231 {strides = array<i32>} : memref<1024xf32, #tpu.memory_space<vmem>>, vector<16xf32>,
      %broadcast_in_dim3A_234 = arith.constant 0.000000e+00 : f32
      %broadcast_in_dim3A_235 = vector.broadcast %broadcast_in_dim3A_234 : f32 to vector<16xf32>
      %swap3A_236 = arith.constant 928 : index
      %swap3A_237 = tpu.vector_load %arg7[%swap3A_236] {strides = array<i32>} : memref<1024xf32, #tpu.memory_space<vmem>>, vector<16xf32>,
      tpu.vector_store %arg7[%swap3A_236], %broadcast_in_dim3A_235 {strides = array<i32>} : memref<1024xf32, #tpu.memory_space<vmem>>, vector<16xf32>,
      %broadcast_in_dim3A_238 = arith.constant 0.000000e+00 : f32
      %broadcast_in_dim3A_239 = vector.broadcast %broadcast_in_dim3A_238 : f32 to vector<16xf32>
      %swap3A_240 = arith.constant 944 : index
      %swap3A_241 = tpu.vector_load %arg7[%swap3A_240] {strides = array<i32>} : memref<1024xf32, #tpu.memory_space<vmem>>, vector<16xf32>,
      tpu.vector_store %arg7[%swap3A_240], %broadcast_in_dim3A_239 {strides = array<i32>} : memref<1024xf32, #tpu.memory_space<vmem>>, vector<16xf32>,
      %broadcast_in_dim3A_242 = arith.constant 0.000000e+00 : f32
      %broadcast_in_dim3A_243 = vector.broadcast %broadcast_in_dim3A_242 : f32 to vector<16xf32>
      %swap3A_244 = arith.constant 960 : index
      %swap3A_245 = tpu.vector_load %arg7[%swap3A_244] {strides = array<i32>} : memref<1024xf32, #tpu.memory_space<vmem>>, vector<16xf32>,
      tpu.vector_store %arg7[%swap3A_244], %broadcast_in_dim3A_243 {strides = array<i32>} : memref<1024xf32, #tpu.memory_space<vmem>>, vector<16xf32>,
      %broadcast_in_dim3A_246 = arith.constant 0.000000e+00 : f32
      %broadcast_in_dim3A_247 = vector.broadcast %broadcast_in_dim3A_246 : f32 to vector<16xf32>
      %swap3A_248 = arith.constant 976 : index
      %swap3A_249 = tpu.vector_load %arg7[%swap3A_248] {strides = array<i32>} : memref<1024xf32, #tpu.memory_space<vmem>>, vector<16xf32>,
      tpu.vector_store %arg7[%swap3A_248], %broadcast_in_dim3A_247 {strides = array<i32>} : memref<1024xf32, #tpu.memory_space<vmem>>, vector<16xf32>,
      %broadcast_in_dim3A_250 = arith.constant 0.000000e+00 : f32
      %broadcast_in_dim3A_251 = vector.broadcast %broadcast_in_dim3A_250 : f32 to vector<16xf32>
      %swap3A_252 = arith.constant 992 : index
      %swap3A_253 = tpu.vector_load %arg7[%swap3A_252] {strides = array<i32>} : memref<1024xf32, #tpu.memory_space<vmem>>, vector<16xf32>,
      tpu.vector_store %arg7[%swap3A_252], %broadcast_in_dim3A_251 {strides = array<i32>} : memref<1024xf32, #tpu.memory_space<vmem>>, vector<16xf32>,
      %broadcast_in_dim3A_254 = arith.constant 0.000000e+00 : f32
      %broadcast_in_dim3A_255 = vector.broadcast %broadcast_in_dim3A_254 : f32 to vector<16xf32>
      %swap3A_256 = arith.constant 1008 : index
      %swap3A_257 = tpu.vector_load %arg7[%swap3A_256] {strides = array<i32>} : memref<1024xf32, #tpu.memory_space<vmem>>, vector<16xf32>,
      tpu.vector_store %arg7[%swap3A_256], %broadcast_in_dim3A_255 {strides = array<i32>} : memref<1024xf32, #tpu.memory_space<vmem>>, vector<16xf32>,
      %iota3A = tpu.iota {dimensions = array<i32: 0>} : vector<16xi32>
      %and3A_258 = arith.constant 1 : i32
      %and3A_259 = vector.broadcast %and3A_258 : i32 to vector<16xi32>
      %and3A_260 = arith.andi %iota3A, %and3A_259 : vector<16xi32>
      %eq3A_261 = arith.constant 0 : i32
      %eq3A_262 = vector.broadcast %eq3A_261 : i32 to vector<16xi32>
      %eq3A_263 = arith.cmpi eq, %and3A_260, %eq3A_262 : vector<16xi32>
      %get3A = arith.constant 0 : index
      %get3A_264 = tpu.vector_load %arg5[%get3A] {strides = array<i32>} : memref<256xi32, #tpu.memory_space<vmem>>, vector<16xi32>,
      %get3A_265 = arith.constant 0 : index
      %get3A_266 = tpu.vector_load %arg6[%get3A_265] {strides = array<i32>} : memref<256xf32, #tpu.memory_space<vmem>>, vector<16xf32>,
      %add3A = arith.constant 0 : i32
      %add3A_267 = vector.broadcast %add3A : i32 to vector<16xi32>
      %add3A_268 = arith.addi %add3A_267, %iota3A : vector<16xi32>
      %shift_right_logical3A = arith.constant 1 : i32
      %shift_right_logical3A_269 = vector.broadcast %shift_right_logical3A : i32 to vector<16xi32>
      %shift_right_logical3A_270 = arith.shrui %add3A_268, %shift_right_logical3A_269 : vector<16xi32>
      %mul3A = arith.constant 8 : i32
      %mul3A_271 = vector.broadcast %mul3A : i32 to vector<16xi32>
      %mul3A_272 = arith.muli %shift_right_logical3A_270, %mul3A_271 : vector<16xi32>
      %add3A_273 = arith.addi %mul3A_272, %get3A_264 : vector<16xi32>
      tpu.vector_store_idx %arg7[%add3A_273], %get3A_266 masked %eq3A_263 {add = true} : memref<1024xf32, #tpu.memory_space<vmem>>[vector<16xi32>], vector<16xf32>, vector<16xi1>
      %not3A = arith.constant dense<true> : vector<16xi1>
      %not3A_274 = arith.xori %eq3A_263, %not3A : vector<16xi1>
      tpu.vector_store_idx %arg7[%add3A_273], %get3A_266 masked %not3A_274 {add = true} : memref<1024xf32, #tpu.memory_space<vmem>>[vector<16xi32>], vector<16xf32>, vector<16xi1>
      %get3A_275 = arith.constant 16 : index
      %get3A_276 = tpu.vector_load %arg5[%get3A_275] {strides = array<i32>} : memref<256xi32, #tpu.memory_space<vmem>>, vector<16xi32>,
      %get3A_277 = arith.constant 16 : index
      %get3A_278 = tpu.vector_load %arg6[%get3A_277] {strides = array<i32>} : memref<256xf32, #tpu.memory_space<vmem>>, vector<16xf32>,
      %add3A_279 = arith.constant 16 : i32
      %add3A_280 = vector.broadcast %add3A_279 : i32 to vector<16xi32>
      %add3A_281 = arith.addi %add3A_280, %iota3A : vector<16xi32>
      %shift_right_logical3A_282 = arith.constant 1 : i32
      %shift_right_logical3A_283 = vector.broadcast %shift_right_logical3A_282 : i32 to vector<16xi32>
      %shift_right_logical3A_284 = arith.shrui %add3A_281, %shift_right_logical3A_283 : vector<16xi32>
      %mul3A_285 = arith.constant 8 : i32
      %mul3A_286 = vector.broadcast %mul3A_285 : i32 to vector<16xi32>
      %mul3A_287 = arith.muli %shift_right_logical3A_284, %mul3A_286 : vector<16xi32>
      %add3A_288 = arith.addi %mul3A_287, %get3A_276 : vector<16xi32>
      tpu.vector_store_idx %arg7[%add3A_288], %get3A_278 masked %eq3A_263 {add = true} : memref<1024xf32, #tpu.memory_space<vmem>>[vector<16xi32>], vector<16xf32>, vector<16xi1>
      %not3A_289 = arith.constant dense<true> : vector<16xi1>
      %not3A_290 = arith.xori %eq3A_263, %not3A_289 : vector<16xi1>
      tpu.vector_store_idx %arg7[%add3A_288], %get3A_278 masked %not3A_290 {add = true} : memref<1024xf32, #tpu.memory_space<vmem>>[vector<16xi32>], vector<16xf32>, vector<16xi1>
      %get3A_291 = arith.constant 32 : index
      %get3A_292 = tpu.vector_load %arg5[%get3A_291] {strides = array<i32>} : memref<256xi32, #tpu.memory_space<vmem>>, vector<16xi32>,
      %get3A_293 = arith.constant 32 : index
      %get3A_294 = tpu.vector_load %arg6[%get3A_293] {strides = array<i32>} : memref<256xf32, #tpu.memory_space<vmem>>, vector<16xf32>,
      %add3A_295 = arith.constant 32 : i32
      %add3A_296 = vector.broadcast %add3A_295 : i32 to vector<16xi32>
      %add3A_297 = arith.addi %add3A_296, %iota3A : vector<16xi32>
      %shift_right_logical3A_298 = arith.constant 1 : i32
      %shift_right_logical3A_299 = vector.broadcast %shift_right_logical3A_298 : i32 to vector<16xi32>
      %shift_right_logical3A_300 = arith.shrui %add3A_297, %shift_right_logical3A_299 : vector<16xi32>
      %mul3A_301 = arith.constant 8 : i32
      %mul3A_302 = vector.broadcast %mul3A_301 : i32 to vector<16xi32>
      %mul3A_303 = arith.muli %shift_right_logical3A_300, %mul3A_302 : vector<16xi32>
      %add3A_304 = arith.addi %mul3A_303, %get3A_292 : vector<16xi32>
      tpu.vector_store_idx %arg7[%add3A_304], %get3A_294 masked %eq3A_263 {add = true} : memref<1024xf32, #tpu.memory_space<vmem>>[vector<16xi32>], vector<16xf32>, vector<16xi1>
      %not3A_305 = arith.constant dense<true> : vector<16xi1>
      %not3A_306 = arith.xori %eq3A_263, %not3A_305 : vector<16xi1>
      tpu.vector_store_idx %arg7[%add3A_304], %get3A_294 masked %not3A_306 {add = true} : memref<1024xf32, #tpu.memory_space<vmem>>[vector<16xi32>], vector<16xf32>, vector<16xi1>
      %get3A_307 = arith.constant 48 : index
      %get3A_308 = tpu.vector_load %arg5[%get3A_307] {strides = array<i32>} : memref<256xi32, #tpu.memory_space<vmem>>, vector<16xi32>,
      %get3A_309 = arith.constant 48 : index
      %get3A_310 = tpu.vector_load %arg6[%get3A_309] {strides = array<i32>} : memref<256xf32, #tpu.memory_space<vmem>>, vector<16xf32>,
      %add3A_311 = arith.constant 48 : i32
      %add3A_312 = vector.broadcast %add3A_311 : i32 to vector<16xi32>
      %add3A_313 = arith.addi %add3A_312, %iota3A : vector<16xi32>
      %shift_right_logical3A_314 = arith.constant 1 : i32
      %shift_right_logical3A_315 = vector.broadcast %shift_right_logical3A_314 : i32 to vector<16xi32>
      %shift_right_logical3A_316 = arith.shrui %add3A_313, %shift_right_logical3A_315 : vector<16xi32>
      %mul3A_317 = arith.constant 8 : i32
      %mul3A_318 = vector.broadcast %mul3A_317 : i32 to vector<16xi32>
      %mul3A_319 = arith.muli %shift_right_logical3A_316, %mul3A_318 : vector<16xi32>
      %add3A_320 = arith.addi %mul3A_319, %get3A_308 : vector<16xi32>
      tpu.vector_store_idx %arg7[%add3A_320], %get3A_310 masked %eq3A_263 {add = true} : memref<1024xf32, #tpu.memory_space<vmem>>[vector<16xi32>], vector<16xf32>, vector<16xi1>
      %not3A_321 = arith.constant dense<true> : vector<16xi1>
      %not3A_322 = arith.xori %eq3A_263, %not3A_321 : vector<16xi1>
      tpu.vector_store_idx %arg7[%add3A_320], %get3A_310 masked %not3A_322 {add = true} : memref<1024xf32, #tpu.memory_space<vmem>>[vector<16xi32>], vector<16xf32>, vector<16xi1>
      %get3A_323 = arith.constant 64 : index
      %get3A_324 = tpu.vector_load %arg5[%get3A_323] {strides = array<i32>} : memref<256xi32, #tpu.memory_space<vmem>>, vector<16xi32>,
      %get3A_325 = arith.constant 64 : index
      %get3A_326 = tpu.vector_load %arg6[%get3A_325] {strides = array<i32>} : memref<256xf32, #tpu.memory_space<vmem>>, vector<16xf32>,
      %add3A_327 = arith.constant 64 : i32
      %add3A_328 = vector.broadcast %add3A_327 : i32 to vector<16xi32>
      %add3A_329 = arith.addi %add3A_328, %iota3A : vector<16xi32>
      %shift_right_logical3A_330 = arith.constant 1 : i32
      %shift_right_logical3A_331 = vector.broadcast %shift_right_logical3A_330 : i32 to vector<16xi32>
      %shift_right_logical3A_332 = arith.shrui %add3A_329, %shift_right_logical3A_331 : vector<16xi32>
      %mul3A_333 = arith.constant 8 : i32
      %mul3A_334 = vector.broadcast %mul3A_333 : i32 to vector<16xi32>
      %mul3A_335 = arith.muli %shift_right_logical3A_332, %mul3A_334 : vector<16xi32>
      %add3A_336 = arith.addi %mul3A_335, %get3A_324 : vector<16xi32>
      tpu.vector_store_idx %arg7[%add3A_336], %get3A_326 masked %eq3A_263 {add = true} : memref<1024xf32, #tpu.memory_space<vmem>>[vector<16xi32>], vector<16xf32>, vector<16xi1>
      %not3A_337 = arith.constant dense<true> : vector<16xi1>
      %not3A_338 = arith.xori %eq3A_263, %not3A_337 : vector<16xi1>
      tpu.vector_store_idx %arg7[%add3A_336], %get3A_326 masked %not3A_338 {add = true} : memref<1024xf32, #tpu.memory_space<vmem>>[vector<16xi32>], vector<16xf32>, vector<16xi1>
      %get3A_339 = arith.constant 80 : index
      %get3A_340 = tpu.vector_load %arg5[%get3A_339] {strides = array<i32>} : memref<256xi32, #tpu.memory_space<vmem>>, vector<16xi32>,
      %get3A_341 = arith.constant 80 : index
      %get3A_342 = tpu.vector_load %arg6[%get3A_341] {strides = array<i32>} : memref<256xf32, #tpu.memory_space<vmem>>, vector<16xf32>,
      %add3A_343 = arith.constant 80 : i32
      %add3A_344 = vector.broadcast %add3A_343 : i32 to vector<16xi32>
      %add3A_345 = arith.addi %add3A_344, %iota3A : vector<16xi32>
      %shift_right_logical3A_346 = arith.constant 1 : i32
      %shift_right_logical3A_347 = vector.broadcast %shift_right_logical3A_346 : i32 to vector<16xi32>
      %shift_right_logical3A_348 = arith.shrui %add3A_345, %shift_right_logical3A_347 : vector<16xi32>
      %mul3A_349 = arith.constant 8 : i32
      %mul3A_350 = vector.broadcast %mul3A_349 : i32 to vector<16xi32>
      %mul3A_351 = arith.muli %shift_right_logical3A_348, %mul3A_350 : vector<16xi32>
      %add3A_352 = arith.addi %mul3A_351, %get3A_340 : vector<16xi32>
      tpu.vector_store_idx %arg7[%add3A_352], %get3A_342 masked %eq3A_263 {add = true} : memref<1024xf32, #tpu.memory_space<vmem>>[vector<16xi32>], vector<16xf32>, vector<16xi1>
      %not3A_353 = arith.constant dense<true> : vector<16xi1>
      %not3A_354 = arith.xori %eq3A_263, %not3A_353 : vector<16xi1>
      tpu.vector_store_idx %arg7[%add3A_352], %get3A_342 masked %not3A_354 {add = true} : memref<1024xf32, #tpu.memory_space<vmem>>[vector<16xi32>], vector<16xf32>, vector<16xi1>
      %get3A_355 = arith.constant 96 : index
      %get3A_356 = tpu.vector_load %arg5[%get3A_355] {strides = array<i32>} : memref<256xi32, #tpu.memory_space<vmem>>, vector<16xi32>,
      %get3A_357 = arith.constant 96 : index
      %get3A_358 = tpu.vector_load %arg6[%get3A_357] {strides = array<i32>} : memref<256xf32, #tpu.memory_space<vmem>>, vector<16xf32>,
      %add3A_359 = arith.constant 96 : i32
      %add3A_360 = vector.broadcast %add3A_359 : i32 to vector<16xi32>
      %add3A_361 = arith.addi %add3A_360, %iota3A : vector<16xi32>
      %shift_right_logical3A_362 = arith.constant 1 : i32
      %shift_right_logical3A_363 = vector.broadcast %shift_right_logical3A_362 : i32 to vector<16xi32>
      %shift_right_logical3A_364 = arith.shrui %add3A_361, %shift_right_logical3A_363 : vector<16xi32>
      %mul3A_365 = arith.constant 8 : i32
      %mul3A_366 = vector.broadcast %mul3A_365 : i32 to vector<16xi32>
      %mul3A_367 = arith.muli %shift_right_logical3A_364, %mul3A_366 : vector<16xi32>
      %add3A_368 = arith.addi %mul3A_367, %get3A_356 : vector<16xi32>
      tpu.vector_store_idx %arg7[%add3A_368], %get3A_358 masked %eq3A_263 {add = true} : memref<1024xf32, #tpu.memory_space<vmem>>[vector<16xi32>], vector<16xf32>, vector<16xi1>
      %not3A_369 = arith.constant dense<true> : vector<16xi1>
      %not3A_370 = arith.xori %eq3A_263, %not3A_369 : vector<16xi1>
      tpu.vector_store_idx %arg7[%add3A_368], %get3A_358 masked %not3A_370 {add = true} : memref<1024xf32, #tpu.memory_space<vmem>>[vector<16xi32>], vector<16xf32>, vector<16xi1>
      %get3A_371 = arith.constant 112 : index
      %get3A_372 = tpu.vector_load %arg5[%get3A_371] {strides = array<i32>} : memref<256xi32, #tpu.memory_space<vmem>>, vector<16xi32>,
      %get3A_373 = arith.constant 112 : index
      %get3A_374 = tpu.vector_load %arg6[%get3A_373] {strides = array<i32>} : memref<256xf32, #tpu.memory_space<vmem>>, vector<16xf32>,
      %add3A_375 = arith.constant 112 : i32
      %add3A_376 = vector.broadcast %add3A_375 : i32 to vector<16xi32>
      %add3A_377 = arith.addi %add3A_376, %iota3A : vector<16xi32>
      %shift_right_logical3A_378 = arith.constant 1 : i32
      %shift_right_logical3A_379 = vector.broadcast %shift_right_logical3A_378 : i32 to vector<16xi32>
      %shift_right_logical3A_380 = arith.shrui %add3A_377, %shift_right_logical3A_379 : vector<16xi32>
      %mul3A_381 = arith.constant 8 : i32
      %mul3A_382 = vector.broadcast %mul3A_381 : i32 to vector<16xi32>
      %mul3A_383 = arith.muli %shift_right_logical3A_380, %mul3A_382 : vector<16xi32>
      %add3A_384 = arith.addi %mul3A_383, %get3A_372 : vector<16xi32>
      tpu.vector_store_idx %arg7[%add3A_384], %get3A_374 masked %eq3A_263 {add = true} : memref<1024xf32, #tpu.memory_space<vmem>>[vector<16xi32>], vector<16xf32>, vector<16xi1>
      %not3A_385 = arith.constant dense<true> : vector<16xi1>
      %not3A_386 = arith.xori %eq3A_263, %not3A_385 : vector<16xi1>
      tpu.vector_store_idx %arg7[%add3A_384], %get3A_374 masked %not3A_386 {add = true} : memref<1024xf32, #tpu.memory_space<vmem>>[vector<16xi32>], vector<16xf32>, vector<16xi1>
      %get3A_387 = arith.constant 128 : index
      %get3A_388 = tpu.vector_load %arg5[%get3A_387] {strides = array<i32>} : memref<256xi32, #tpu.memory_space<vmem>>, vector<16xi32>,
      %get3A_389 = arith.constant 128 : index
      %get3A_390 = tpu.vector_load %arg6[%get3A_389] {strides = array<i32>} : memref<256xf32, #tpu.memory_space<vmem>>, vector<16xf32>,
      %add3A_391 = arith.constant 128 : i32
      %add3A_392 = vector.broadcast %add3A_391 : i32 to vector<16xi32>
      %add3A_393 = arith.addi %add3A_392, %iota3A : vector<16xi32>
      %shift_right_logical3A_394 = arith.constant 1 : i32
      %shift_right_logical3A_395 = vector.broadcast %shift_right_logical3A_394 : i32 to vector<16xi32>
      %shift_right_logical3A_396 = arith.shrui %add3A_393, %shift_right_logical3A_395 : vector<16xi32>
      %mul3A_397 = arith.constant 8 : i32
      %mul3A_398 = vector.broadcast %mul3A_397 : i32 to vector<16xi32>
      %mul3A_399 = arith.muli %shift_right_logical3A_396, %mul3A_398 : vector<16xi32>
      %add3A_400 = arith.addi %mul3A_399, %get3A_388 : vector<16xi32>
      tpu.vector_store_idx %arg7[%add3A_400], %get3A_390 masked %eq3A_263 {add = true} : memref<1024xf32, #tpu.memory_space<vmem>>[vector<16xi32>], vector<16xf32>, vector<16xi1>
      %not3A_401 = arith.constant dense<true> : vector<16xi1>
      %not3A_402 = arith.xori %eq3A_263, %not3A_401 : vector<16xi1>
      tpu.vector_store_idx %arg7[%add3A_400], %get3A_390 masked %not3A_402 {add = true} : memref<1024xf32, #tpu.memory_space<vmem>>[vector<16xi32>], vector<16xf32>, vector<16xi1>
      %get3A_403 = arith.constant 144 : index
      %get3A_404 = tpu.vector_load %arg5[%get3A_403] {strides = array<i32>} : memref<256xi32, #tpu.memory_space<vmem>>, vector<16xi32>,
      %get3A_405 = arith.constant 144 : index
      %get3A_406 = tpu.vector_load %arg6[%get3A_405] {strides = array<i32>} : memref<256xf32, #tpu.memory_space<vmem>>, vector<16xf32>,
      %add3A_407 = arith.constant 144 : i32
      %add3A_408 = vector.broadcast %add3A_407 : i32 to vector<16xi32>
      %add3A_409 = arith.addi %add3A_408, %iota3A : vector<16xi32>
      %shift_right_logical3A_410 = arith.constant 1 : i32
      %shift_right_logical3A_411 = vector.broadcast %shift_right_logical3A_410 : i32 to vector<16xi32>
      %shift_right_logical3A_412 = arith.shrui %add3A_409, %shift_right_logical3A_411 : vector<16xi32>
      %mul3A_413 = arith.constant 8 : i32
      %mul3A_414 = vector.broadcast %mul3A_413 : i32 to vector<16xi32>
      %mul3A_415 = arith.muli %shift_right_logical3A_412, %mul3A_414 : vector<16xi32>
      %add3A_416 = arith.addi %mul3A_415, %get3A_404 : vector<16xi32>
      tpu.vector_store_idx %arg7[%add3A_416], %get3A_406 masked %eq3A_263 {add = true} : memref<1024xf32, #tpu.memory_space<vmem>>[vector<16xi32>], vector<16xf32>, vector<16xi1>
      %not3A_417 = arith.constant dense<true> : vector<16xi1>
      %not3A_418 = arith.xori %eq3A_263, %not3A_417 : vector<16xi1>
      tpu.vector_store_idx %arg7[%add3A_416], %get3A_406 masked %not3A_418 {add = true} : memref<1024xf32, #tpu.memory_space<vmem>>[vector<16xi32>], vector<16xf32>, vector<16xi1>
      %get3A_419 = arith.constant 160 : index
      %get3A_420 = tpu.vector_load %arg5[%get3A_419] {strides = array<i32>} : memref<256xi32, #tpu.memory_space<vmem>>, vector<16xi32>,
      %get3A_421 = arith.constant 160 : index
      %get3A_422 = tpu.vector_load %arg6[%get3A_421] {strides = array<i32>} : memref<256xf32, #tpu.memory_space<vmem>>, vector<16xf32>,
      %add3A_423 = arith.constant 160 : i32
      %add3A_424 = vector.broadcast %add3A_423 : i32 to vector<16xi32>
      %add3A_425 = arith.addi %add3A_424, %iota3A : vector<16xi32>
      %shift_right_logical3A_426 = arith.constant 1 : i32
      %shift_right_logical3A_427 = vector.broadcast %shift_right_logical3A_426 : i32 to vector<16xi32>
      %shift_right_logical3A_428 = arith.shrui %add3A_425, %shift_right_logical3A_427 : vector<16xi32>
      %mul3A_429 = arith.constant 8 : i32
      %mul3A_430 = vector.broadcast %mul3A_429 : i32 to vector<16xi32>
      %mul3A_431 = arith.muli %shift_right_logical3A_428, %mul3A_430 : vector<16xi32>
      %add3A_432 = arith.addi %mul3A_431, %get3A_420 : vector<16xi32>
      tpu.vector_store_idx %arg7[%add3A_432], %get3A_422 masked %eq3A_263 {add = true} : memref<1024xf32, #tpu.memory_space<vmem>>[vector<16xi32>], vector<16xf32>, vector<16xi1>
      %not3A_433 = arith.constant dense<true> : vector<16xi1>
      %not3A_434 = arith.xori %eq3A_263, %not3A_433 : vector<16xi1>
      tpu.vector_store_idx %arg7[%add3A_432], %get3A_422 masked %not3A_434 {add = true} : memref<1024xf32, #tpu.memory_space<vmem>>[vector<16xi32>], vector<16xf32>, vector<16xi1>
      %get3A_435 = arith.constant 176 : index
      %get3A_436 = tpu.vector_load %arg5[%get3A_435] {strides = array<i32>} : memref<256xi32, #tpu.memory_space<vmem>>, vector<16xi32>,
      %get3A_437 = arith.constant 176 : index
      %get3A_438 = tpu.vector_load %arg6[%get3A_437] {strides = array<i32>} : memref<256xf32, #tpu.memory_space<vmem>>, vector<16xf32>,
      %add3A_439 = arith.constant 176 : i32
      %add3A_440 = vector.broadcast %add3A_439 : i32 to vector<16xi32>
      %add3A_441 = arith.addi %add3A_440, %iota3A : vector<16xi32>
      %shift_right_logical3A_442 = arith.constant 1 : i32
      %shift_right_logical3A_443 = vector.broadcast %shift_right_logical3A_442 : i32 to vector<16xi32>
      %shift_right_logical3A_444 = arith.shrui %add3A_441, %shift_right_logical3A_443 : vector<16xi32>
      %mul3A_445 = arith.constant 8 : i32
      %mul3A_446 = vector.broadcast %mul3A_445 : i32 to vector<16xi32>
      %mul3A_447 = arith.muli %shift_right_logical3A_444, %mul3A_446 : vector<16xi32>
      %add3A_448 = arith.addi %mul3A_447, %get3A_436 : vector<16xi32>
      tpu.vector_store_idx %arg7[%add3A_448], %get3A_438 masked %eq3A_263 {add = true} : memref<1024xf32, #tpu.memory_space<vmem>>[vector<16xi32>], vector<16xf32>, vector<16xi1>
      %not3A_449 = arith.constant dense<true> : vector<16xi1>
      %not3A_450 = arith.xori %eq3A_263, %not3A_449 : vector<16xi1>
      tpu.vector_store_idx %arg7[%add3A_448], %get3A_438 masked %not3A_450 {add = true} : memref<1024xf32, #tpu.memory_space<vmem>>[vector<16xi32>], vector<16xf32>, vector<16xi1>
      %get3A_451 = arith.constant 192 : index
      %get3A_452 = tpu.vector_load %arg5[%get3A_451] {strides = array<i32>} : memref<256xi32, #tpu.memory_space<vmem>>, vector<16xi32>,
      %get3A_453 = arith.constant 192 : index
      %get3A_454 = tpu.vector_load %arg6[%get3A_453] {strides = array<i32>} : memref<256xf32, #tpu.memory_space<vmem>>, vector<16xf32>,
      %add3A_455 = arith.constant 192 : i32
      %add3A_456 = vector.broadcast %add3A_455 : i32 to vector<16xi32>
      %add3A_457 = arith.addi %add3A_456, %iota3A : vector<16xi32>
      %shift_right_logical3A_458 = arith.constant 1 : i32
      %shift_right_logical3A_459 = vector.broadcast %shift_right_logical3A_458 : i32 to vector<16xi32>
      %shift_right_logical3A_460 = arith.shrui %add3A_457, %shift_right_logical3A_459 : vector<16xi32>
      %mul3A_461 = arith.constant 8 : i32
      %mul3A_462 = vector.broadcast %mul3A_461 : i32 to vector<16xi32>
      %mul3A_463 = arith.muli %shift_right_logical3A_460, %mul3A_462 : vector<16xi32>
      %add3A_464 = arith.addi %mul3A_463, %get3A_452 : vector<16xi32>
      tpu.vector_store_idx %arg7[%add3A_464], %get3A_454 masked %eq3A_263 {add = true} : memref<1024xf32, #tpu.memory_space<vmem>>[vector<16xi32>], vector<16xf32>, vector<16xi1>
      %not3A_465 = arith.constant dense<true> : vector<16xi1>
      %not3A_466 = arith.xori %eq3A_263, %not3A_465 : vector<16xi1>
      tpu.vector_store_idx %arg7[%add3A_464], %get3A_454 masked %not3A_466 {add = true} : memref<1024xf32, #tpu.memory_space<vmem>>[vector<16xi32>], vector<16xf32>, vector<16xi1>
      %get3A_467 = arith.constant 208 : index
      %get3A_468 = tpu.vector_load %arg5[%get3A_467] {strides = array<i32>} : memref<256xi32, #tpu.memory_space<vmem>>, vector<16xi32>,
      %get3A_469 = arith.constant 208 : index
      %get3A_470 = tpu.vector_load %arg6[%get3A_469] {strides = array<i32>} : memref<256xf32, #tpu.memory_space<vmem>>, vector<16xf32>,
      %add3A_471 = arith.constant 208 : i32
      %add3A_472 = vector.broadcast %add3A_471 : i32 to vector<16xi32>
      %add3A_473 = arith.addi %add3A_472, %iota3A : vector<16xi32>
      %shift_right_logical3A_474 = arith.constant 1 : i32
      %shift_right_logical3A_475 = vector.broadcast %shift_right_logical3A_474 : i32 to vector<16xi32>
      %shift_right_logical3A_476 = arith.shrui %add3A_473, %shift_right_logical3A_475 : vector<16xi32>
      %mul3A_477 = arith.constant 8 : i32
      %mul3A_478 = vector.broadcast %mul3A_477 : i32 to vector<16xi32>
      %mul3A_479 = arith.muli %shift_right_logical3A_476, %mul3A_478 : vector<16xi32>
      %add3A_480 = arith.addi %mul3A_479, %get3A_468 : vector<16xi32>
      tpu.vector_store_idx %arg7[%add3A_480], %get3A_470 masked %eq3A_263 {add = true} : memref<1024xf32, #tpu.memory_space<vmem>>[vector<16xi32>], vector<16xf32>, vector<16xi1>
      %not3A_481 = arith.constant dense<true> : vector<16xi1>
      %not3A_482 = arith.xori %eq3A_263, %not3A_481 : vector<16xi1>
      tpu.vector_store_idx %arg7[%add3A_480], %get3A_470 masked %not3A_482 {add = true} : memref<1024xf32, #tpu.memory_space<vmem>>[vector<16xi32>], vector<16xf32>, vector<16xi1>
      %get3A_483 = arith.constant 224 : index
      %get3A_484 = tpu.vector_load %arg5[%get3A_483] {strides = array<i32>} : memref<256xi32, #tpu.memory_space<vmem>>, vector<16xi32>,
      %get3A_485 = arith.constant 224 : index
      %get3A_486 = tpu.vector_load %arg6[%get3A_485] {strides = array<i32>} : memref<256xf32, #tpu.memory_space<vmem>>, vector<16xf32>,
      %add3A_487 = arith.constant 224 : i32
      %add3A_488 = vector.broadcast %add3A_487 : i32 to vector<16xi32>
      %add3A_489 = arith.addi %add3A_488, %iota3A : vector<16xi32>
      %shift_right_logical3A_490 = arith.constant 1 : i32
      %shift_right_logical3A_491 = vector.broadcast %shift_right_logical3A_490 : i32 to vector<16xi32>
      %shift_right_logical3A_492 = arith.shrui %add3A_489, %shift_right_logical3A_491 : vector<16xi32>
      %mul3A_493 = arith.constant 8 : i32
      %mul3A_494 = vector.broadcast %mul3A_493 : i32 to vector<16xi32>
      %mul3A_495 = arith.muli %shift_right_logical3A_492, %mul3A_494 : vector<16xi32>
      %add3A_496 = arith.addi %mul3A_495, %get3A_484 : vector<16xi32>
      tpu.vector_store_idx %arg7[%add3A_496], %get3A_486 masked %eq3A_263 {add = true} : memref<1024xf32, #tpu.memory_space<vmem>>[vector<16xi32>], vector<16xf32>, vector<16xi1>
      %not3A_497 = arith.constant dense<true> : vector<16xi1>
      %not3A_498 = arith.xori %eq3A_263, %not3A_497 : vector<16xi1>
      tpu.vector_store_idx %arg7[%add3A_496], %get3A_486 masked %not3A_498 {add = true} : memref<1024xf32, #tpu.memory_space<vmem>>[vector<16xi32>], vector<16xf32>, vector<16xi1>
      %get3A_499 = arith.constant 240 : index
      %get3A_500 = tpu.vector_load %arg5[%get3A_499] {strides = array<i32>} : memref<256xi32, #tpu.memory_space<vmem>>, vector<16xi32>,
      %get3A_501 = arith.constant 240 : index
      %get3A_502 = tpu.vector_load %arg6[%get3A_501] {strides = array<i32>} : memref<256xf32, #tpu.memory_space<vmem>>, vector<16xf32>,
      %add3A_503 = arith.constant 240 : i32
      %add3A_504 = vector.broadcast %add3A_503 : i32 to vector<16xi32>
      %add3A_505 = arith.addi %add3A_504, %iota3A : vector<16xi32>
      %shift_right_logical3A_506 = arith.constant 1 : i32
      %shift_right_logical3A_507 = vector.broadcast %shift_right_logical3A_506 : i32 to vector<16xi32>
      %shift_right_logical3A_508 = arith.shrui %add3A_505, %shift_right_logical3A_507 : vector<16xi32>
      %mul3A_509 = arith.constant 8 : i32
      %mul3A_510 = vector.broadcast %mul3A_509 : i32 to vector<16xi32>
      %mul3A_511 = arith.muli %shift_right_logical3A_508, %mul3A_510 : vector<16xi32>
      %add3A_512 = arith.addi %mul3A_511, %get3A_500 : vector<16xi32>
      tpu.vector_store_idx %arg7[%add3A_512], %get3A_502 masked %eq3A_263 {add = true} : memref<1024xf32, #tpu.memory_space<vmem>>[vector<16xi32>], vector<16xf32>, vector<16xi1>
      %not3A_513 = arith.constant dense<true> : vector<16xi1>
      %not3A_514 = arith.xori %eq3A_263, %not3A_513 : vector<16xi1>
      tpu.vector_store_idx %arg7[%add3A_512], %get3A_502 masked %not3A_514 {add = true} : memref<1024xf32, #tpu.memory_space<vmem>>[vector<16xi32>], vector<16xf32>, vector<16xi1>
      "tpu.region"() ({
        %run_scoped3A = tpu.sem_alloc : memref<!tpu.dma_semaphore, #tpu.memory_space<semaphore_mem>>
        tpu.enqueue_dma source(%arg7 : memref<1024xf32, #tpu.memory_space<vmem>>) target(%arg4 : memref<1024xf32, #tpu.memory_space<hbm>>) target_semaphore(%run_scoped3A : memref<!tpu.dma_semaphore, #tpu.memory_space<semaphore_mem>>)
        tpu.wait_dma2 semaphore(%run_scoped3A : memref<!tpu.dma_semaphore, #tpu.memory_space<semaphore_mem>>) src(%arg7 : memref<1024xf32, #tpu.memory_space<vmem>>) dst(%arg4 : memref<1024xf32, #tpu.memory_space<hbm>>)
        tpu.yield
      }) : () -> ()
    } else {
    }
    return
  }
}

module attributes {stable_mosaic.version = 14 : i64} {
  func.func @_moe_body(%arg0: i32, %arg1: memref<128x1024xf32, #tpu.memory_space<vmem>>, %arg2: memref<1x1024x1024xf32, #tpu.memory_space<vmem>>, %arg3: memref<1x1024x512xf32, #tpu.memory_space<vmem>>, %arg4: memref<128x8xf32, #tpu.memory_space<vmem>>, %arg5: memref<128x1024xf32, #tpu.memory_space<vmem>>) attributes {dimension_semantics = [#tpu.dimension_semantics<arbitrary>], iteration_bounds = array<i64: 8>, scalar_prefetch = 0 : i64, scratch_operands = 0 : i64, tpu.core_type = #tpu.core_type<tc>, window_params = [{pipeline_mode = #tpu.pipeline_mode<synchronous>, transform_indices = @transform_0, window_bounds = array<i64: 128, 1024>}, {transform_indices = @transform_1, window_bounds = array<i64: 1, 1024, 1024>}, {transform_indices = @transform_2, window_bounds = array<i64: 1, 1024, 512>}, {pipeline_mode = #tpu.pipeline_mode<synchronous>, transform_indices = @transform_3, window_bounds = array<i64: 128, 8>}, {pipeline_mode = #tpu.pipeline_mode<synchronous>, transform_indices = @transform_4, window_bounds = array<i64: 128, 1024>}]} {
    %get3A = arith.constant 0 : index
    %get3A_0 = arith.constant 0 : index
    %get3A_1 = vector.load %arg1[%get3A, %get3A_0] : memref<128x1024xf32, #tpu.memory_space<vmem>>, vector<128x1024xf32>
    %get3A_2 = arith.constant 0 : index
    %get3A_3 = arith.constant 0 : index
    %get3A_4 = arith.constant 0 : index
    %get3A_5 = vector.load %arg2[%get3A_2, %get3A_3, %get3A_4] : memref<1x1024x1024xf32, #tpu.memory_space<vmem>>, vector<1x1024x1024xf32>
    %get3A_6 = vector.shape_cast %get3A_5 : vector<1x1024x1024xf32> to vector<1024x1024xf32>
    %dot_general3A = arith.constant dense<0.000000e+00> : vector<128x1024xf32>
    %dot_general3A_7 = tpu.matmul %get3A_1, %get3A_6, %dot_general3A {dimension_numbers = #tpu.dot_dimension_numbers<[1], [1], [0], [0], [0, 0, 1, 0], [], []>, transpose_lhs_hint = false} : vector<128x1024xf32>, vector<1024x1024xf32>, vector<128x1024xf32> -> vector<128x1024xf32>
    %slice3A = vector.extract_strided_slice %dot_general3A_7 {offsets = [0, 0], sizes = [128, 512], strides = [1, 1]} : vector<128x1024xf32> to vector<128x512xf32>
    %slice3A_8 = vector.extract_strided_slice %dot_general3A_7 {offsets = [0, 512], sizes = [128, 512], strides = [1, 1]} : vector<128x1024xf32> to vector<128x512xf32>
    %logistic3A = arith.negf %slice3A : vector<128x512xf32>
    %logistic3A_9 = math.exp %logistic3A : vector<128x512xf32>
    %logistic3A_10 = arith.constant 1.000000e+00 : f32
    %logistic3A_11 = vector.broadcast %logistic3A_10 : f32 to vector<128x512xf32>
    %logistic3A_12 = arith.addf %logistic3A_11, %logistic3A_9 : vector<128x512xf32>
    %logistic3A_13 = arith.divf %logistic3A_11, %logistic3A_12 : vector<128x512xf32>
    %mul3A = arith.mulf %slice3A, %logistic3A_13 : vector<128x512xf32>
    %mul3A_14 = arith.mulf %mul3A, %slice3A_8 : vector<128x512xf32>
    %get3A_15 = arith.constant 0 : index
    %get3A_16 = arith.constant 0 : index
    %get3A_17 = arith.constant 0 : index
    %get3A_18 = vector.load %arg3[%get3A_15, %get3A_16, %get3A_17] : memref<1x1024x512xf32, #tpu.memory_space<vmem>>, vector<1x1024x512xf32>
    %get3A_19 = vector.shape_cast %get3A_18 : vector<1x1024x512xf32> to vector<1024x512xf32>
    %dot_general3A_20 = arith.constant dense<0.000000e+00> : vector<128x1024xf32>
    %dot_general3A_21 = tpu.matmul %mul3A_14, %get3A_19, %dot_general3A_20 {dimension_numbers = #tpu.dot_dimension_numbers<[1], [1], [0], [0], [0, 0, 1, 0], [], []>, transpose_lhs_hint = false} : vector<128x512xf32>, vector<1024x512xf32>, vector<128x1024xf32> -> vector<128x1024xf32>
    %iota3A = tpu.iota {dimensions = array<i32: 1>} : vector<128x8xi32>
    %get3A_22 = arith.constant 0 : index
    %get3A_23 = arith.constant 0 : index
    %get3A_24 = vector.load %arg4[%get3A_22, %get3A_23] : memref<128x8xf32, #tpu.memory_space<vmem>>, vector<128x8xf32>
    %eq3A = vector.broadcast %arg0 : i32 to vector<128x8xi32>
    %eq3A_25 = arith.cmpi eq, %iota3A, %eq3A : vector<128x8xi32>
    %convert_element_type3A = arith.extui %eq3A_25 : vector<128x8xi1> to vector<128x8xi32>
    %convert_element_type3A_26 = arith.sitofp %convert_element_type3A : vector<128x8xi32> to vector<128x8xf32>
    %mul3A_27 = arith.mulf %get3A_24, %convert_element_type3A_26 : vector<128x8xf32>
    %reduce_sum3A = arith.constant dense<0.000000e+00> : vector<128xf32>
    %reduce_sum3A_28 = vector.multi_reduction <add>, %mul3A_27, %reduce_sum3A [1] : vector<128x8xf32> to vector<128xf32>
    %broadcast_in_dim3A = vector.shape_cast %reduce_sum3A_28 : vector<128xf32> to vector<128x1xf32>
    %mul3A_29 = vector.broadcast %broadcast_in_dim3A : vector<128x1xf32> to vector<128x1024xf32>
    %mul3A_30 = arith.mulf %dot_general3A_21, %mul3A_29 : vector<128x1024xf32>
    %eq3A_31 = arith.constant 0 : i32
    %eq3A_32 = arith.cmpi eq, %arg0, %eq3A_31 : i32
    %convert_element_type3A_33 = arith.extui %eq3A_32 : i1 to i32
    %cond3A = arith.constant 0 : i32
    %cond3A_34 = arith.cmpi ne, %convert_element_type3A_33, %cond3A : i32
    scf.if %cond3A_34 {
      %swap3A = arith.constant 0 : index
      %swap3A_39 = arith.constant 0 : index
      %swap3A_40 = vector.load %arg5[%swap3A, %swap3A_39] : memref<128x1024xf32, #tpu.memory_space<vmem>>, vector<128x1024xf32>
      tpu.vector_store %arg5[%swap3A, %swap3A_39], %mul3A_30 {strides = array<i32>} : memref<128x1024xf32, #tpu.memory_space<vmem>>, vector<128x1024xf32>,
    } else {
    }
    %ne3A = arith.constant 0 : i32
    %ne3A_35 = arith.cmpi ne, %arg0, %ne3A : i32
    %convert_element_type3A_36 = arith.extui %ne3A_35 : i1 to i32
    %cond3A_37 = arith.constant 0 : i32
    %cond3A_38 = arith.cmpi ne, %convert_element_type3A_36, %cond3A_37 : i32
    scf.if %cond3A_38 {
      %get3A_39 = arith.constant 0 : index
      %get3A_40 = arith.constant 0 : index
      %get3A_41 = vector.load %arg5[%get3A_39, %get3A_40] : memref<128x1024xf32, #tpu.memory_space<vmem>>, vector<128x1024xf32>
      %add3A = arith.addf %get3A_41, %mul3A_30 : vector<128x1024xf32>
      %swap3A = arith.constant 0 : index
      %swap3A_42 = arith.constant 0 : index
      %swap3A_43 = vector.load %arg5[%swap3A, %swap3A_42] : memref<128x1024xf32, #tpu.memory_space<vmem>>, vector<128x1024xf32>
      tpu.vector_store %arg5[%swap3A, %swap3A_42], %add3A {strides = array<i32>} : memref<128x1024xf32, #tpu.memory_space<vmem>>, vector<128x1024xf32>,
    } else {
    }
    return
  }
  func.func @transform_0(%arg0: i32) -> (i32, i32) {
    %c0_i32 = arith.constant 0 : i32
    %c0_i32_0 = arith.constant 0 : i32
    %c0_i32_1 = arith.constant 0 : i32
    return %c0_i32, %c0_i32_0 : i32, i32
  }
  func.func @transform_1(%arg0: i32) -> (i32, i32, i32) {
    %c0_i32 = arith.constant 0 : i32
    %c0_i32_0 = arith.constant 0 : i32
    %c0_i32_1 = arith.constant 0 : i32
    return %arg0, %c0_i32, %c0_i32_0 : i32, i32, i32
  }
  func.func @transform_2(%arg0: i32) -> (i32, i32, i32) {
    %c0_i32 = arith.constant 0 : i32
    %c0_i32_0 = arith.constant 0 : i32
    %c0_i32_1 = arith.constant 0 : i32
    return %arg0, %c0_i32, %c0_i32_0 : i32, i32, i32
  }
  func.func @transform_3(%arg0: i32) -> (i32, i32) {
    %c0_i32 = arith.constant 0 : i32
    %c0_i32_0 = arith.constant 0 : i32
    %c0_i32_1 = arith.constant 0 : i32
    return %c0_i32, %c0_i32_0 : i32, i32
  }
  func.func @transform_4(%arg0: i32) -> (i32, i32) {
    %c0_i32 = arith.constant 0 : i32
    %c0_i32_0 = arith.constant 0 : i32
    %c0_i32_1 = arith.constant 0 : i32
    return %c0_i32, %c0_i32_0 : i32, i32
  }
}

</mosaic_0001>

<sc_bundles>
// kernel: kernel.4.cloned.1.call-start
scs
__scs_entry_jumppad:
0x0: {  	(pc) =	sbr.rel $0x88, $3  }
0x1: {  	(tag) =	ssettag $0x0;
	lr =	simm.s32 $0x1  }
0x2: {  	[smem:$0x3F9C] =	sst lr;
	_ =	strace $0xD0000000  }
0x3: {  	_ = 	snop  }
0x4: {  	_ = 	snop  }
0x5: {  	_ = 	snop  }
0x6: {  	_ = 	snop  }
0x7: {  	_ = 	snop  }
__scs_overlays_trampoline_lowered:
0x8: {  	[smem:$0x3FAB] =	sst s0  }
0x9: {  	[smem:$0x3FAC] =	sst s1  }
0xa: {  	[smem:$0x3FAD] =	sst s2  }
0xb: {  	[smem:$0x3FAE] =	sst s3  }
0xc: {  	[smem:$0x3FAF] =	sst s4  }
0xd: {  	[smem:$0x3FB0] =	sst s5  }
0xe: {  	[smem:$0x3FB1] =	sst s6  }
0xf: {  	[smem:$0x3FB2] =	sst s7  }
0x10: {  	[smem:$0x3FB3] =	sst s8  }
0x11: {  	[smem:$0x3FB4] =	sst s9;
	s0 =	simm.s32 @!p0 $0x0  }
0x12: {  	s1 =	sld [smem:$0x3F9A];
	s0 =	simm.s32 @p0 $0x1  }
0x13: {  	[smem:$0x3FB5] =	sst s0;
	s0 =	simm.s32 @!p1 $0x0  }
0x14: {  	s2 =	sld [smem:$0x3F99];
	s0 =	simm.s32 @p1 $0x1  }
0x15: {  	[smem:$0x3FB6] =	sst s0;
	s0 =	simm.s32 @!p2 $0x0  }
0x16: {  	s3 =	sld [smem:$0x3FDB];
	s0 =	simm.s32 @p2 $0x1  }
0x17: {  	s4 =	simm.s32 $0x1BF5;
	[smem:$0x3FB8] =	sst s0  }
0x18: {  	s0 =	sld [smem:$0x3F9B];
	_ =	swait.ge [sflag:s4], $0x0  }
0x19: {  	s7 =	sld [smem:$0x3F9C]  }
0x1a: {  	s8 =	sadd.s32 $0xFFFFE003, lr  }
0x1b: {  	s9 =	sadd.s32 $0xFFFFFEF7, lr;
	s5 =	simm.s32 $0xFFFFFFFF;
	p2 =	slt.u32 s8, $0xFFFFF086  }
0x1c: {  	p1 =	slt.u32 s9, $0xF7A;
	s5 =	simm.s32 @!p2 $0x0  }
0x1d: {  	s5 =	simm.s32 @p1 $0x1;
	p0 =	seq.s32 s7, s2  }
0x1e: {  	s7 =	smul.u32 @!p0 $0xF7A, s2;
	p2 =	seq.s32 @!p0 s5, $0x0  }
0x1f: {  	s9 =	smul.u32 $0xF7A, s1;
	s8 =	simm.s32 @!p0 $0x1BF5;
	p2 =	por !p2, p0  }
0x20: {  	[sflag:s8] =	ssyncset.s32 @!p0 $0xFFFFF086;
	s6 =	sadd.s32 @!p0 s3, s7;
	s7 =	simm.s32 @!p0 $0x108  }
0x21: {  	s3 =	sadd.s32 s3, s9;
	s6 =	sadd.s32 @!p0 $0x88, s6;
	s7 =	simm.s32 @p2 $0x1082  }
0x22: {  	[simem:s7], [sflag:s8] =	dma.local @!p0 [hbm:s6], $0xF7A  }
0x23: {  	s9 =	sor.u32 $0xD0000000, s2;
	s6 =	simm.s32 $0x108;
	_ =	swait.ge @!p0 [sflag:s8], $0x0  }
0x24: {  	s3 =	sadd.s32 $0x88, s3;
	s6 =	simm.s32 @!p1 $0x1082;
	[sflag:s4] =	ssyncset.s32 $0xFFFFF086  }
0x25: {  	[simem:s6], [sflag:s4] =	dma.local [hbm:s3], $0xF7A  }
0x26: {  	[smem:$0x3F9C] =	sst s1;
	(tag) =	ssettag s2;
	_ =	strace s9  }
0x27: {  	s1 =	sld [smem:$0x3FAC]  }
0x28: {  	s2 =	sld [smem:$0x3FAD]  }
0x29: {  	s4 =	sld [smem:$0x3FAF]  }
0x2a: {  	p0 =	seq.s32 s5, $0x0;
	s5 =	sld [smem:$0x3FB0]  }
0x2b: {  	s6 =	sld [smem:$0x3FB1]  }
0x2c: {  	s7 =	sld [smem:$0x3FB2]  }
0x2d: {  	s3 =	simm.s32 $0x108;
	s8 =	sld [smem:$0x3FB3]  }
0x2e: {  	s3 =	simm.s32 @!p0 $0x1082;
	s9 =	sld [smem:$0x3FB4]  }
0x2f: {  	lr =	sadd.s32 s0, s3;
	s0 =	sld [smem:$0x3FAB]  }
0x30: {  	s3 =	sld [smem:$0x3FAE]  }
0x31: {  	[smem:$0x3FB7] =	sst s10  }
0x32: {  	s10 =	sld [smem:$0x3FB5];
	_ =	sdelay $0x3  }
0x33: {  	p0 =	seq.s32 s10, $0x1;
	s10 =	sld [smem:$0x3FB7];
	_ =	sdelay $0x3  }
0x34: {  	[smem:$0x3FB7] =	sst s10  }
0x35: {  	s10 =	sld [smem:$0x3FB6];
	_ =	sdelay $0x3  }
0x36: {  	p1 =	seq.s32 s10, $0x1;
	s10 =	sld [smem:$0x3FB7];
	_ =	sdelay $0x3  }
0x37: {  	[smem:$0x3FB7] =	sst s10  }
0x38: {  	s10 =	sld [smem:$0x3FB8]  }
0x39: {  	_ = 	snop;
	(pc) =	sbr.ind lr, $3  }
0x3a: {  	_ = 	snop  }
0x3b: {  	_ = 	snop  }
0x3c: {  	p2 =	seq.s32 s10, $0x1;
	s10 =	sld [smem:$0x3FB7]  }
0x3d: {  	_ =	shalt  }
0x3e: {  	_ =	shalt  }
0x3f: {  	_ =	shalt  }
0x40: {  	_ =	shalt  }
0x41: {  	_ =	shalt  }
0x42: {  	_ =	shalt  }
0x43: {  	_ =	shalt  }
0x44: {  	_ =	shalt  }
0x45: {  	_ =	shalt  }
0x46: {  	_ =	shalt  }
0x47: {  	_ =	shalt  }
0x48: {  	_ =	shalt  }
0x49: {  	_ =	shalt  }
0x4a: {  	_ =	shalt  }
0x4b: {  	_ =	shalt  }
0x4c: {  	_ =	shalt  }
0x4d: {  	_ =	shalt  }
0x4e: {  	_ =	shalt  }
0x4f: {  	_ =	shalt  }
0x50: {  	_ =	shalt  }
0x51: {  	_ =	shalt  }
0x52: {  	_ =	shalt  }
0x53: {  	_ =	shalt  }
0x54: {  	_ =	shalt  }
0x55: {  	_ =	shalt  }
0x56: {  	_ =	shalt  }
0x57: {  	_ =	shalt  }
0x58: {  	_ =	shalt  }
0x59: {  	_ =	shalt  }
0x5a: {  	_ =	shalt  }
0x5b: {  	_ =	shalt  }
0x5c: {  	_ =	shalt  }
0x5d: {  	_ =	shalt  }
0x5e: {  	_ =	shalt  }
0x5f: {  	_ =	shalt  }
0x60: {  	_ =	shalt  }
0x61: {  	_ =	shalt  }
0x62: {  	_ =	shalt  }
0x63: {  	_ =	shalt  }
0x64: {  	_ =	shalt  }
0x65: {  	_ =	shalt  }
0x66: {  	_ =	shalt  }
0x67: {  	_ =	shalt  }
0x68: {  	_ =	shalt  }
0x69: {  	_ =	shalt  }
0x6a: {  	_ =	shalt  }
0x6b: {  	_ =	shalt  }
0x6c: {  	_ =	shalt  }
0x6d: {  	_ =	shalt  }
0x6e: {  	_ =	shalt  }
0x6f: {  	_ =	shalt  }
0x70: {  	_ =	shalt  }
0x71: {  	_ =	shalt  }
0x72: {  	_ =	shalt  }
0x73: {  	_ =	shalt  }
0x74: {  	_ =	shalt  }
0x75: {  	_ =	shalt  }
0x76: {  	_ =	shalt  }
0x77: {  	_ =	shalt  }
0x78: {  	_ =	shalt  }
0x79: {  	_ =	shalt  }
0x7a: {  	_ =	shalt  }
0x7b: {  	_ =	shalt  }
0x7c: {  	_ =	shalt  }
0x7d: {  	_ =	shalt  }
0x7e: {  	_ =	shalt  }
0x7f: {  	_ =	shalt  }
0x80: {  	_ =	shalt  }
0x81: {  	_ =	shalt  }
0x82: {  	_ =	shalt  }
0x83: {  	_ =	shalt  }
0x84: {  	_ =	shalt  }
0x85: {  	_ =	shalt  }
0x86: {  	_ =	shalt  }
0x87: {  	_ =	shalt  }
.Lfunc_end0:
.L_simem_size_0:
called_computation_lowered:
.L_overlay_start_0:
0x88: {  	s2 =	sld [smem:$0x3FD9]  }
0x89: {  	s3 =	sld [smem:$0x3FFE];
	_ =	sdelay $0x1  }
0x8a: {  	s1 =	srdreg.scid  }
0x8b: {  	s0 =	sand.u32 $0x1, s1  }
0x8c: {  	s17 =	sshll.u32 s0, $0xA;
	s2 =	sadd.s32 s3, s2  }
0x8d: {  	s2 =	sadd.s32 s2, s17  }
0x8e: {  	[smem:$0x3FC3] =	sst s2  }
0x8f: {  	_ = 	snop  }
0x90: {  	s2 =	sld [smem:$0x3FD0];
	(tm) =	ssettm $0x1  }
0x91: {  	s18 =	sld [smem:$0x3FFB];
	_ =	sdelay $0x3  }
0x92: {  	_ =	strace s18  }
0x93: {  	s3 =	sld [smem:$0x3FFC];
	_ =	sdelay $0x3  }
0x94: {  	_ =	strace s3  }
0x95: {  	s3 =	sld [smem:$0x3FFD];
	_ =	sdelay $0x3  }
0x96: {  	_ =	strace s3  }
0x97: {  	_ =	strace $0x8FFFFFFF  }
0x98: {  	s19 =	sld [smem:$0x3FDB];
	_ =	sdelay $0x1  }
0x99: {  	s4 =	simm.s32 $_scs_section_size  }
0x9a: {  	s5 =	simm.s32 $_size__tile_overlayer_lowered;
	s6 =	simm.s32 $_tile_overlayer_lowered  }
0x9b: {  	s22 =	simm.s32 $0x1BFF;
	s21 =	sshll.u32 s6, $0x1;
	s3 =	sadd.s32 s4, s19  }
0x9c: {  	s7 =	simm.s32 $0x0;
	s20 =	sshll.u32 s5, $0x1;
	s5 =	sadd.s32 s21, s3  }
0x9d: {  	[timem:s7], [sflag:s22] =	dma.local [hbm:s5], s20  }
0x9e: {  	_ =	swait.ge [sflag:s22], s20  }
0x9f: {  	s4 =	ssub.s32 $0x0, s20;
	[sflag:s22] =	ssyncset.done $0x0  }
0xa0: {  	[sflag:s22] =	ssyncadd.s32 s4;
	_ =	sdelay $0x1  }
0xa1: {  	s23 =	simm.s32 $0x1B8B  }
0xa2: {  	_ =	swait.ge [sflag:s23], $0x1  }
0xa3: {  	[sflag:s23] =	ssyncset.done $0x0  }
0xa4: {  	s25 =	simm.s32 $0x1B8E;
	s24 =	sld [smem:$0x3FFE];
	[sflag:s23] =	ssyncadd.s32 $0xFFFFFFFF  }
0xa5: {  	s26 =	simm.s32 $execute0_lowered;
	[smem:$0x3FD2] =	sst s25  }
0xa6: {  	s5 =	sshll.u32 s26, $0x1;
	_ =	strace $0x80000046;
	[dreg:$0x1] =	wrdreg $0xFFFFFFFF  }
0xa7: {  	s28 =	simm.s32 $_size_execute0_lowered;
	s3 =	sadd.s32 s3, s5;
	[dreg:$0x0] =	wrdreg $0x0  }
0xa8: {  	s5 =	sshll.u32 s28, $0x1;
	[dreg:$0x2] =	wrdreg s3  }
0xa9: {  	[dreg:$0x3] =	wrdreg s5  }
0xaa: {  	[dreg:$0x4] =	wrdreg $0xC0  }
0xab: {  	_ =	task [dreg:s7], $0x5FFFF  }
0xac: {  	[dreg:$0x1] =	wrdreg $0xFFFFFFFF  }
0xad: {  	[dreg:$0x0] =	wrdreg $0x60  }
0xae: {  	[dreg:$0x2] =	wrdreg s24  }
0xaf: {  	[dreg:$0x3] =	wrdreg s2  }
0xb0: {  	[dreg:$0x4] =	wrdreg $0x9  }
0xb1: {  	_ =	task.clear_ibuf [dreg:s7], $0x5FFFF;
	_ =	strace $0x90000046  }
0xb2: {  	s29 =	simm.s32 $0x9;
	_ =	strace $0x80000048  }
0xb3: {  	_ =	swait.ge [sflag:s29], $0x1  }
0xb4: {  	[sflag:s29] =	ssyncadd.s32 $0xFFFFFFFF  }
0xb5: {  	_ =	strace $0x90000048  }
0xb6: {  	_ =	sfence  }
0xb7: {  	s30 =	sld [smem:$0x0];
	_ =	sdelay $0x2  }
0xb8: {  	s31 =	sshll.u32 s1, $0xD;
	s1 =	sshrl.u32 s1, $0x2  }
0xb9: {  	s3 =	sand.u32 $0x4000, s31;
	s1 =	sadd.s32 s1, s30  }
0xba: {  	s0 =	sor.u32 s3, s0;
	s1 =	sshll.u32 s1, $0x11  }
0xbb: {  	s0 =	sor.u32 s1, s0  }
0xbc: {  	s0 =	sadd.s32 $0x8F2B, s0  }
0xbd: {  	[sflag:s0] =	ssyncadd.remote.s32 $0x1  }
0xbe: {  	_ =	sfence.sel $0xFFFF  }
0xbf: {  	[dreg:$0x0] =	wrdreg $0xFFFFFFFF;
	(pc) =	sbr.abs _section_cstart, $3  }
0xc0: {  	[dreg:$0x1] =	wrdreg $0xFFFFFFFF  }
0xc1: {  	_ =	task.clear_ibuf [dreg:s7], $0x2FFFF;
	_ =	strace $0x9FFFFFFF  }
0xc2: {  	(tm) =	ssettm $0x7FFFFFFF  }
0xc3: {  	_ =	shalt  }
tec
execute0_lowered:
.L_overlay_start_1:
0x0: {  	(tag) =	ssettag $0x1  }
0x1: {  	s0 =	srdreg.scid  }
0x2: {  	s3 =	sand.u32 $0x1, s0;
	s0 =	stileid.u32  }
0x3: {  	s5 =	sor.u32 s0, s3  }
0x4: {  	p0 =	sne.s32 s5, $0x0  }
.Ltmp0:
0x5: {  	_ = 	snop;
	(pc) =	sbr.rel @p0 .LBB2_3-.Ltmp0, $4  }
0x6: {  	_ = 	snop  }
0x7: {  	s4 =	rddreg [dreg:$0x0]  }
0x8: {  	s2 =	rddreg [dreg:$0x1]  }
0x9: {  	s1 =	rddreg [dreg:$0x2];
	_ =	strace $0x80000047  }
0xa: {  	vm0 =	vcmask $0xB08  }
0xb: {  	vm1 =	vcmask $0x300;
	v0 =	vlaneseq.u32;
	vm2 =	vcmask $0xF0C  }
0xc: {  	vm3 =	vcmask $0x704;
	vm0 =	vmor vm1, vm0;
	vm1 =	vcmask $0x1310  }
0xd: {  	v0 =	vshrl.u32 v0, $0x1;
	vm0 =	vmor vm0, vm1;
	vm1 =	vcmask $0x1B18  }
0xe: {  	v0 =	vmul.u32 $0x8, v0;
	vm0 =	vmor vm0, vm1;
	vm1 =	vcmask $0x2320  }
0xf: {  	v1 =	vimm.f32 $0.0e+00;
	vm0 =	vmor vm0, vm1;
	vm1 =	vmor vm3, vm2  }
0x10: {  	vm2 =	vcmask $0x1714;
	vm3 =	vcmask $0x2B28;
	v2 =	vor.u32 $0x40, v0  }
0x11: {  	v3 =	vor.u32 $0x80, v0;
	v4 =	vor.u32 $0xC0, v0;
	v5 =	vor.u32 $0x100, v0  }
0x12: {  	v6 =	vor.u32 $0x140, v0;
	v7 =	vor.u32 $0x180, v0;
	v8 =	vor.u32 $0x1C0, v0  }
0x13: {  	v9 =	vor.u32 $0x200, v0;
	v10 =	vor.u32 $0x240, v0;
	v11 =	vor.u32 $0x280, v0  }
0x14: {  	v12 =	vor.u32 $0x2C0, v0;
	v13 =	vor.u32 $0x300, v0;
	v14 =	vor.u32 $0x340, v0  }
0x15: {  	v15 =	vor.u32 $0x380, v0;
	vm1 =	vmor vm1, vm2;
	vm2 =	vcmask $0x1F1C  }
0x16: {  	vm0 =	vmor vm0, vm3;
	vm1 =	vmor vm1, vm2;
	vm2 =	vcmask $0x2724  }
0x17: {  	vm3 =	vcmask $0x3330;
	vm1 =	vmor vm1, vm2;
	vm2 =	vcmask $0x2F2C  }
0x18: {  	s5 =	ssub.s32 $0x2, s3;
	s3 =	sadd.s32 $0x800, s4;
	s4 =	sadd.s32 $0xA00, s4;
	vm0 =	vmor vm0, vm3;
	vm1 =	vmor vm1, vm2;
	vm2 =	vcmask $0x3734  }
0x19: {  	s7 =	simm.s32 $0x1;
	s8 =	simm.s32 $0x100;
	s6 =	sshrl.u32 s5, $0x1;
	vm3 =	vcmask $0x3B38;
	vm1 =	vmor vm1, vm2;
	vm2 =	vcmask $0x3F3C  }
0x1a: {  	s9 =	simm.s32 $0x200;
	s5 =	ssub.s32 s5, s6;
	s6 =	simm.s32 $0x0;
	v16 =	vor.u32 $0x3C0, v0;
	vm0 =	vmor vm0, vm3;
	vm1 =	vmor vm1, vm2  }
.LBB2_2:
0x1b: {  	[tilespmem:s6], [sflag:$0x1] =	stream.linear.gather [hbm4b:s3+s6], $0x100, $0x38;
	[tilespmem:$0x600] =	vst v63  }
0x1c: {  	_ =	swait.ge [sflag:s7], $0x100  }
0x1d: {  	[sflag:s7] =	ssyncset.done $0x0  }
0x1e: {  	[sflag:s7] =	ssyncadd.s32 $0xFFFFFF00  }
0x1f: {  	[tilespmem:s8], [sflag:$0x1] =	stream.linear.gather [hbm4b:s4+s6], $0x100, $0x38;
	[tilespmem:$0x600] =	vst v63  }
0x20: {  	_ =	swait.ge [sflag:s7], $0x100  }
0x21: {  	[sflag:s7] =	ssyncset.done $0x0  }
0x22: {  	[sflag:s7] =	ssyncadd.s32 $0xFFFFFF00  }
0x23: {  	[tilespmem:$0x200] =	vst v1  }
0x24: {  	[tilespmem:$0x210] =	vst v1  }
0x25: {  	[tilespmem:$0x220] =	vst v1  }
0x26: {  	[tilespmem:$0x230] =	vst v1  }
0x27: {  	[tilespmem:$0x240] =	vst v1  }
0x28: {  	[tilespmem:$0x250] =	vst v1  }
0x29: {  	[tilespmem:$0x260] =	vst v1  }
0x2a: {  	[tilespmem:$0x270] =	vst v1  }
0x2b: {  	[tilespmem:$0x280] =	vst v1  }
0x2c: {  	[tilespmem:$0x290] =	vst v1  }
0x2d: {  	[tilespmem:$0x2A0] =	vst v1  }
0x2e: {  	[tilespmem:$0x2B0] =	vst v1  }
0x2f: {  	[tilespmem:$0x2C0] =	vst v1  }
0x30: {  	[tilespmem:$0x2D0] =	vst v1  }
0x31: {  	[tilespmem:$0x2E0] =	vst v1  }
0x32: {  	[tilespmem:$0x2F0] =	vst v1  }
0x33: {  	[tilespmem:$0x300] =	vst v1  }
0x34: {  	[tilespmem:$0x310] =	vst v1  }
0x35: {  	[tilespmem:$0x320] =	vst v1  }
0x36: {  	[tilespmem:$0x330] =	vst v1  }
0x37: {  	[tilespmem:$0x340] =	vst v1  }
0x38: {  	[tilespmem:$0x350] =	vst v1  }
0x39: {  	[tilespmem:$0x360] =	vst v1  }
0x3a: {  	[tilespmem:$0x370] =	vst v1  }
0x3b: {  	[tilespmem:$0x380] =	vst v1  }
0x3c: {  	[tilespmem:$0x390] =	vst v1  }
0x3d: {  	[tilespmem:$0x3A0] =	vst v1  }
0x3e: {  	[tilespmem:$0x3B0] =	vst v1  }
0x3f: {  	[tilespmem:$0x3C0] =	vst v1  }
0x40: {  	[tilespmem:$0x3D0] =	vst v1  }
0x41: {  	[tilespmem:$0x3E0] =	vst v1  }
0x42: {  	[tilespmem:$0x3F0] =	vst v1  }
0x43: {  	[tilespmem:$0x400] =	vst v1  }
0x44: {  	[tilespmem:$0x410] =	vst v1  }
0x45: {  	[tilespmem:$0x420] =	vst v1  }
0x46: {  	[tilespmem:$0x430] =	vst v1  }
0x47: {  	[tilespmem:$0x440] =	vst v1  }
0x48: {  	[tilespmem:$0x450] =	vst v1  }
0x49: {  	[tilespmem:$0x460] =	vst v1  }
0x4a: {  	[tilespmem:$0x470] =	vst v1  }
0x4b: {  	[tilespmem:$0x480] =	vst v1  }
0x4c: {  	[tilespmem:$0x490] =	vst v1  }
0x4d: {  	[tilespmem:$0x4A0] =	vst v1  }
0x4e: {  	[tilespmem:$0x4B0] =	vst v1  }
0x4f: {  	[tilespmem:$0x4C0] =	vst v1  }
0x50: {  	[tilespmem:$0x4D0] =	vst v1  }
0x51: {  	[tilespmem:$0x4E0] =	vst v1  }
0x52: {  	[tilespmem:$0x4F0] =	vst v1  }
0x53: {  	[tilespmem:$0x500] =	vst v1  }
0x54: {  	[tilespmem:$0x510] =	vst v1  }
0x55: {  	[tilespmem:$0x520] =	vst v1  }
0x56: {  	[tilespmem:$0x530] =	vst v1  }
0x57: {  	[tilespmem:$0x540] =	vst v1  }
0x58: {  	[tilespmem:$0x550] =	vst v1  }
0x59: {  	[tilespmem:$0x560] =	vst v1;
	v17 =	vld [tilespmem:$0x0]  }
0x5a: {  	[tilespmem:$0x570] =	vst v1  }
0x5b: {  	[tilespmem:$0x580] =	vst v1  }
0x5c: {  	[tilespmem:$0x590] =	vst v1  }
0x5d: {  	[tilespmem:$0x5A0] =	vst v1  }
0x5e: {  	[tilespmem:$0x5B0] =	vst v1;
	v18 =	vld [tilespmem:$0x100];
	v17 =	vadd.s32 v0, v17  }
0x5f: {  	[tilespmem:$0x5C0] =	vst v1  }
0x60: {  	[tilespmem:$0x5D0] =	vst v1  }
0x61: {  	[tilespmem:$0x5E0] =	vst v1  }
0x62: {  	[tilespmem:$0x5F0] =	vst v1  }
0x63: {  	[tilespmem:v17+s9+$0x0] =	vst.idx.add.f32.msk vm0, v18  }
0x64: {  	[tilespmem:v17+s9+$0x0] =	vst.idx.add.f32.msk vm1, v18  }
0x65: {  	v17 =	vld [tilespmem:$0x10];
	_ =	sdelay $0x4  }
0x66: {  	v18 =	vld [tilespmem:$0x110];
	v17 =	vadd.s32 v2, v17;
	_ =	sdelay $0x4  }
0x67: {  	[tilespmem:v17+s9+$0x0] =	vst.idx.add.f32.msk vm0, v18  }
0x68: {  	[tilespmem:v17+s9+$0x0] =	vst.idx.add.f32.msk vm1, v18  }
0x69: {  	v17 =	vld [tilespmem:$0x20];
	_ =	sdelay $0x4  }
0x6a: {  	v18 =	vld [tilespmem:$0x120];
	v17 =	vadd.s32 v3, v17;
	_ =	sdelay $0x4  }
0x6b: {  	[tilespmem:v17+s9+$0x0] =	vst.idx.add.f32.msk vm0, v18  }
0x6c: {  	[tilespmem:v17+s9+$0x0] =	vst.idx.add.f32.msk vm1, v18  }
0x6d: {  	v17 =	vld [tilespmem:$0x30];
	_ =	sdelay $0x4  }
0x6e: {  	v18 =	vld [tilespmem:$0x130];
	v17 =	vadd.s32 v4, v17;
	_ =	sdelay $0x4  }
0x6f: {  	[tilespmem:v17+s9+$0x0] =	vst.idx.add.f32.msk vm0, v18  }
0x70: {  	[tilespmem:v17+s9+$0x0] =	vst.idx.add.f32.msk vm1, v18  }
0x71: {  	v17 =	vld [tilespmem:$0x40];
	_ =	sdelay $0x4  }
0x72: {  	v18 =	vld [tilespmem:$0x140];
	v17 =	vadd.s32 v5, v17;
	_ =	sdelay $0x4  }
0x73: {  	[tilespmem:v17+s9+$0x0] =	vst.idx.add.f32.msk vm0, v18  }
0x74: {  	[tilespmem:v17+s9+$0x0] =	vst.idx.add.f32.msk vm1, v18  }
0x75: {  	v17 =	vld [tilespmem:$0x50];
	_ =	sdelay $0x4  }
0x76: {  	v18 =	vld [tilespmem:$0x150];
	v17 =	vadd.s32 v6, v17;
	_ =	sdelay $0x4  }
0x77: {  	[tilespmem:v17+s9+$0x0] =	vst.idx.add.f32.msk vm0, v18  }
0x78: {  	[tilespmem:v17+s9+$0x0] =	vst.idx.add.f32.msk vm1, v18  }
0x79: {  	v17 =	vld [tilespmem:$0x60];
	_ =	sdelay $0x4  }
0x7a: {  	v18 =	vld [tilespmem:$0x160];
	v17 =	vadd.s32 v7, v17;
	_ =	sdelay $0x4  }
0x7b: {  	[tilespmem:v17+s9+$0x0] =	vst.idx.add.f32.msk vm0, v18  }
0x7c: {  	[tilespmem:v17+s9+$0x0] =	vst.idx.add.f32.msk vm1, v18  }
0x7d: {  	v17 =	vld [tilespmem:$0x70];
	_ =	sdelay $0x4  }
0x7e: {  	v18 =	vld [tilespmem:$0x170];
	v17 =	vadd.s32 v8, v17;
	_ =	sdelay $0x4  }
0x7f: {  	[tilespmem:v17+s9+$0x0] =	vst.idx.add.f32.msk vm0, v18  }
0x80: {  	[tilespmem:v17+s9+$0x0] =	vst.idx.add.f32.msk vm1, v18  }
0x81: {  	v17 =	vld [tilespmem:$0x80];
	_ =	sdelay $0x4  }
0x82: {  	v18 =	vld [tilespmem:$0x180];
	v17 =	vadd.s32 v9, v17;
	_ =	sdelay $0x4  }
0x83: {  	[tilespmem:v17+s9+$0x0] =	vst.idx.add.f32.msk vm0, v18  }
0x84: {  	[tilespmem:v17+s9+$0x0] =	vst.idx.add.f32.msk vm1, v18  }
0x85: {  	v17 =	vld [tilespmem:$0x90];
	_ =	sdelay $0x4  }
0x86: {  	v18 =	vld [tilespmem:$0x190];
	v17 =	vadd.s32 v10, v17;
	_ =	sdelay $0x4  }
0x87: {  	[tilespmem:v17+s9+$0x0] =	vst.idx.add.f32.msk vm0, v18  }
0x88: {  	[tilespmem:v17+s9+$0x0] =	vst.idx.add.f32.msk vm1, v18  }
0x89: {  	v17 =	vld [tilespmem:$0xA0];
	_ =	sdelay $0x4  }
0x8a: {  	v18 =	vld [tilespmem:$0x1A0];
	v17 =	vadd.s32 v11, v17;
	_ =	sdelay $0x4  }
0x8b: {  	[tilespmem:v17+s9+$0x0] =	vst.idx.add.f32.msk vm0, v18  }
0x8c: {  	[tilespmem:v17+s9+$0x0] =	vst.idx.add.f32.msk vm1, v18  }
0x8d: {  	v17 =	vld [tilespmem:$0xB0];
	_ =	sdelay $0x4  }
0x8e: {  	v18 =	vld [tilespmem:$0x1B0];
	v17 =	vadd.s32 v12, v17;
	_ =	sdelay $0x4  }
0x8f: {  	[tilespmem:v17+s9+$0x0] =	vst.idx.add.f32.msk vm0, v18  }
0x90: {  	[tilespmem:v17+s9+$0x0] =	vst.idx.add.f32.msk vm1, v18  }
0x91: {  	v17 =	vld [tilespmem:$0xC0];
	_ =	sdelay $0x4  }
0x92: {  	v18 =	vld [tilespmem:$0x1C0];
	v17 =	vadd.s32 v13, v17;
	_ =	sdelay $0x4  }
0x93: {  	[tilespmem:v17+s9+$0x0] =	vst.idx.add.f32.msk vm0, v18  }
0x94: {  	[tilespmem:v17+s9+$0x0] =	vst.idx.add.f32.msk vm1, v18  }
0x95: {  	v17 =	vld [tilespmem:$0xD0];
	_ =	sdelay $0x4  }
0x96: {  	v18 =	vld [tilespmem:$0x1D0];
	v17 =	vadd.s32 v14, v17;
	_ =	sdelay $0x4  }
0x97: {  	[tilespmem:v17+s9+$0x0] =	vst.idx.add.f32.msk vm0, v18  }
0x98: {  	[tilespmem:v17+s9+$0x0] =	vst.idx.add.f32.msk vm1, v18  }
0x99: {  	v17 =	vld [tilespmem:$0xE0];
	_ =	sdelay $0x4  }
0x9a: {  	v18 =	vld [tilespmem:$0x1E0];
	v17 =	vadd.s32 v15, v17;
	_ =	sdelay $0x4  }
0x9b: {  	[tilespmem:v17+s9+$0x0] =	vst.idx.add.f32.msk vm0, v18  }
0x9c: {  	[tilespmem:v17+s9+$0x0] =	vst.idx.add.f32.msk vm1, v18  }
0x9d: {  	v17 =	vld [tilespmem:$0xF0];
	_ =	sdelay $0x4  }
0x9e: {  	v18 =	vld [tilespmem:$0x1F0];
	v17 =	vadd.s32 v16, v17;
	_ =	sdelay $0x4  }
0x9f: {  	p0 =	sne.s32 s5, $0x1;
	[tilespmem:v17+s9+$0x0] =	vst.idx.add.f32.msk vm0, v18  }
.Ltmp1:
0xa0: {  	[tilespmem:v17+s9+$0x0] =	vst.idx.add.f32.msk vm1, v18;
	(pc) =	sbr.rel @p0 .LBB2_2-.Ltmp1, $4  }
0xa1: {  	[hbm4b:s2+s6] =	stream.linear.scatter [tilespmem:s9], [sflag:$0x1], $0x400, $0x38;
	[tilespmem:$0x600] =	vst v63  }
0xa2: {  	_ =	swait.ge [sflag:s7], $0x400  }
0xa3: {  	[sflag:s7] =	ssyncset.done $0x0  }
0xa4: {  	s5 =	sadd.s32 $0xFFFFFFFF, s5;
	[sflag:s7] =	ssyncadd.s32 $0xFFFFFC00  }
.LBB2_3:
0xa5: {  	_ =	sfence.sel $0x180000  }
0xa6: {  	[bflag:$0x0] =	sbarrier.arrive $0xFFFF  }
0xa7: {  	p0 =	sne.s32 s0, $0x0;
	_ =	strace $0x90000047  }
0xa8: {  	s0 =	sadd.s32 @!p0 $0x100000, s1;
	[bflag:$0x2] =	sbarrier.arrive $0xFFFF  }
0xa9: {  	[sflag:s0] =	ssyncadd.tile.s32 @!p0 $0x1;
	_ =	shalt  }
.Lfunc_end2:
_tile_overlayer_lowered:
.L_overlay_start_2:
0xaa: {  	(tag) =	ssettag $0x2  }
0xab: {  	s0 =	rddreg [dreg:$0x0];
	s2 =	stileid.u32  }
0xac: {  	s1 =	rddreg [dreg:$0x1];
	p0 =	sne.s32 s2, $0x0  }
0xad: {  	s3 =	rddreg [dreg:$0x2];
	[bflag:$0x3] =	sbarrier.arrive $0xFFFF;
	s2 =	simm.s32 @!p0 $0x1C01  }
0xae: {  	[timem:s3], [sflag:s2] =	dma.local @!p0 [hbm:s0], s1  }
0xaf: {  	s0 =	simm.s32 @!p0 $0x1  }
0xb0: {  	_ =	swait.ge @!p0 [sflag:s0], s1  }
0xb1: {  	s1 =	ssub.s32 @!p0 $0x0, s1;
	[sflag:s0] =	ssyncset.done @!p0 $0x0  }
0xb2: {  	[sflag:s0] =	ssyncadd.s32 @!p0 s1  }
0xb3: {  	[bflag:$0x3] =	sbarrier.arrive $0xFFFF  }
0xb4: {  	_ =	shalt  }

</sc_bundles>
